<compile_context>
chip_gen: v7x
topology: tpu7x:2x2x1
jax: 0.10.2.dev20260603
libtpu: 0.0.44.dev20260713+nightly
codegen_flags: <defaults>
</compile_context>

<pallas_src>
import functools

import jax
import jax.numpy as jnp
from jax import lax
from jax.experimental import pallas as pl
from jax.experimental.pallas import tpu as pltpu
from jax.experimental.pallas import tpu_sc as plsc

_NUM_TASKS = 8
_D_MODEL = 768
_N_CLASSES = 16
_N_TOKENS = 16384
_HEADS_W = _NUM_TASKS * _N_CLASSES
_TB = 2048


def _heads_matmul_body(x_ref, w_ref, b_ref, y_ref):
    y_ref[...] = (
        jnp.dot(x_ref[...], w_ref[...], preferred_element_type=jnp.float32)
        + b_ref[...]
    )


def _heads_matmul(x, w_all, b_all):
    return pl.pallas_call(
        _heads_matmul_body,
        grid=(_N_TOKENS // _TB,),
        in_specs=[
            pl.BlockSpec((_TB, _D_MODEL), lambda i: (i, 0)),
            pl.BlockSpec((_D_MODEL, _HEADS_W), lambda i: (0, 0)),
            pl.BlockSpec((1, _HEADS_W), lambda i: (0, 0)),
        ],
        out_specs=pl.BlockSpec((_TB, _HEADS_W), lambda i: (i, 0)),
        out_shape=jax.ShapeDtypeStruct((_N_TOKENS, _HEADS_W), jnp.float32),
        compiler_params=pltpu.CompilerParams(
            dimension_semantics=("parallel",)
        ),
    )(x, w_all, b_all)


def _route_gather(table, labels):
    info = plsc.get_sparse_core_info()
    nc, ns, nlanes = info.num_cores, info.num_subcores, info.num_lanes
    nw = nc * ns
    bpw = _N_TOKENS // nw
    nchunk = bpw // 128
    mesh = plsc.VectorSubcoreMesh(core_axis_name="c", subcore_axis_name="s")

    @functools.partial(
        pl.kernel,
        mesh=mesh,
        out_type=jax.ShapeDtypeStruct((_N_TOKENS, _N_CLASSES), jnp.float32),
        scratch_types=[
            pltpu.VMEM((bpw,), jnp.int32),
            *[pltpu.VMEM((128,), jnp.int32) for _ in range(nchunk)],
            pltpu.VMEM((bpw, _N_CLASSES), jnp.float32),
            pltpu.SemaphoreType.DMA,
            pltpu.SemaphoreType.DMA,
        ],
        compiler_params=pltpu.CompilerParams(use_tc_tiling_on_sc=False),
    )
    def gather_kernel(table_hbm, lab_hbm, out_hbm, lab_v, *rest):
        idx_vs = rest[:nchunk]
        rows_v = rest[nchunk]
        sem = rest[nchunk + 1]
        out_sem = rest[nchunk + 2]
        wid = lax.axis_index("s") * nc + lax.axis_index("c")
        base = wid * bpw
        pltpu.sync_copy(lab_hbm.at[pl.ds(base, bpw)], lab_v)
        lane = lax.iota(jnp.int32, nlanes)
        for j in range(nchunk):
            for k in range(128 // nlanes):
                off = j * 128 + k * nlanes
                lab16 = lab_v[pl.ds(off, nlanes)]
                idx_vs[j][pl.ds(k * nlanes, nlanes)] = (
                    (base + off + lane) * _NUM_TASKS + lab16
                )
        gathers = [
            pltpu.async_copy(
                table_hbm.at[idx_vs[j]],
                rows_v.at[pl.ds(j * 128, 128)],
                sem,
            )
            for j in range(nchunk)
        ]
        out_copies = []
        for j in range(nchunk):
            gathers[j].wait()
            out_copies.append(
                pltpu.async_copy(
                    rows_v.at[pl.ds(j * 128, 128)],
                    out_hbm.at[pl.ds(base + j * 128, 128)],
                    out_sem,
                )
            )
        for c in out_copies:
            c.wait()

    return gather_kernel(table, labels)


def kernel(x, task_labels, W, b):
    w_all = jnp.transpose(W, (1, 0, 2)).reshape(_D_MODEL, _HEADS_W)
    b_all = b.reshape(1, _HEADS_W)
    y_all = _heads_matmul(x, w_all, b_all)
    table = y_all.reshape(_N_TOKENS * _NUM_TASKS, _N_CLASSES)
    return _route_gather(table, task_labels.astype(jnp.int32))

# --- scband reference (transcript-rebuilt; emitter-appended) ---
"""Pipeline reference for scband-multi-task-module-40209483825687 (READ-ONLY COPY).

The authoritative reference and input builder live on the scoring server;
editing this copy changes nothing except your own understanding.
"""

import jax, jax.numpy as jnp
import numpy as np

NUM_TASKS = 8
D_MODEL = 768
N_CLASSES = 16  # per-task head width; max_class_label = 16
N_TOKENS = 16384  # batch*seq from LANG_PROMPT (2 x 8192)


def setup_inputs(seed: int = 0) -> dict:
    key = jax.random.key(seed)
    k1, k2, k3, k4 = jax.random.split(key, 4)
    x = jax.random.normal(k1, (N_TOKENS, D_MODEL), dtype=jnp.float32)
    # task labels per sample; int32 for CPU-jax friendliness (semantically int64 indices)
    task_labels = jax.random.randint(k2, (N_TOKENS,), 0, NUM_TASKS, dtype=jnp.int32)
    # Learned per-task classifier heads (the concrete forward_single_task is a Linear head)
    W = jax.random.normal(k3, (NUM_TASKS, D_MODEL, N_CLASSES), dtype=jnp.float32) * 0.02
    b = jax.random.normal(k4, (NUM_TASKS, N_CLASSES), dtype=jnp.float32) * 0.01
    return {"x": x, "task_labels": task_labels, "W": W, "b": b}


def reference(x, task_labels, W, b):
    """Faithful translation of MultiTaskModule.forward:

    out = zeros(B, max_class_label)
    for task in unique(task_labels):
        mask = task_labels == task
        out[mask, :n_labels_head] = forward_single_task(x[mask], task)

    forward_single_task(x, t) = x @ W[t] + b[t] (multi-head Linear classifier).
    Looping over all NUM_TASKS is equivalent to looping over unique tasks,
    since masks of absent tasks write nothing. Scatter-overwrite semantics
    are implemented with jnp.where (equivalent to .at[mask_idx].set).
    """
    n = x.shape[0]
    out = jnp.zeros((n, N_CLASSES), dtype=x.dtype)
    for t in range(NUM_TASKS):
        mask = (task_labels == t)
        y_t = x @ W[t] + b[t]
        out = jnp.where(mask[:, None], y_t, out)
    return out

if __name__ == "__main__":
    import jax
    _d = setup_inputs()
    print(jax.jit(kernel)(*tuple(_d.values())))

</pallas_src>

<mosaic_0001>
#map = affine_map<(d0, d1) -> (0, 0)>
#map1 = affine_map<(d0, d1) -> (0)>
module attributes {stable_mosaic.version = 14 : i64} {
  func.func @gather_kernel(%arg0: i32, %arg1: i32, %arg2: memref<131072x16xf32, #tpu.memory_space<hbm>>, %arg3: memref<16384xi32, #tpu.memory_space<hbm>>, %arg4: memref<16384x16xf32, #tpu.memory_space<hbm>>, %arg5: memref<512xi32, #tpu.memory_space<vmem>>, %arg6: memref<128xi32, #tpu.memory_space<vmem>>, %arg7: memref<128xi32, #tpu.memory_space<vmem>>, %arg8: memref<128xi32, #tpu.memory_space<vmem>>, %arg9: memref<128xi32, #tpu.memory_space<vmem>>, %arg10: memref<512x16xf32, #tpu.memory_space<vmem>>, %arg11: memref<!tpu.dma_semaphore, #tpu.memory_space<semaphore_mem>>, %arg12: memref<!tpu.dma_semaphore, #tpu.memory_space<semaphore_mem>>) attributes {dimension_semantics = [#tpu.dimension_semantics<core_parallel>, #tpu.dimension_semantics<subcore_parallel>], iteration_bounds = array<i64: 2, 16>, scalar_prefetch = 0 : i64, scratch_operands = 8 : i64, tpu.core_type = #tpu.core_type<sc_vector_subcore>, window_params = [{transform_indices = #map}, {transform_indices = #map1}, {transform_indices = #map}]} {
    %mul3A = arith.constant 2 : i32
    %mul3A_0 = arith.muli %arg1, %mul3A : i32
    %add3A = arith.addi %mul3A_0, %arg0 : i32
    %mul3A_1 = arith.constant 512 : i32
    %mul3A_2 = arith.muli %add3A, %mul3A_1 : i32
    "tpu.region"() ({
      %run_scoped3A = tpu.sem_alloc : memref<!tpu.dma_semaphore, #tpu.memory_space<semaphore_mem>>
      %dma_start3A_615 = tpu.memref_slice %arg3[%mul3A_2] : memref<16384xi32, #tpu.memory_space<hbm>> -> memref<512xi32, #tpu.memory_space<hbm>>
      %dma_start3A_616 = tpu.memref_slice %arg3[%mul3A_2] : memref<16384xi32, #tpu.memory_space<hbm>> -> memref<512xi32, #tpu.memory_space<hbm>>
      tpu.enqueue_dma source(%dma_start3A_616 : memref<512xi32, #tpu.memory_space<hbm>>) target(%arg5 : memref<512xi32, #tpu.memory_space<vmem>>) target_semaphore(%run_scoped3A : memref<!tpu.dma_semaphore, #tpu.memory_space<semaphore_mem>>)
      %dma_wait3A_617 = tpu.memref_slice %arg3[%mul3A_2] : memref<16384xi32, #tpu.memory_space<hbm>> -> memref<512xi32, #tpu.memory_space<hbm>>
      %dma_wait3A_618 = tpu.memref_slice %arg3[%mul3A_2] : memref<16384xi32, #tpu.memory_space<hbm>> -> memref<512xi32, #tpu.memory_space<hbm>>
      tpu.wait_dma2 semaphore(%run_scoped3A : memref<!tpu.dma_semaphore, #tpu.memory_space<semaphore_mem>>) src(%dma_wait3A_618 : memref<512xi32, #tpu.memory_space<hbm>>) dst(%arg5 : memref<512xi32, #tpu.memory_space<vmem>>)
      tpu.yield
    }) : () -> ()
    %iota3A = tpu.iota {dimensions = array<i32: 0>} : vector<16xi32>
    %get3A = arith.constant 0 : index
    %get3A_3 = tpu.vector_load %arg5[%get3A] {strides = array<i32>} : memref<512xi32, #tpu.memory_space<vmem>>, vector<16xi32>,
    %get3A_4 = vector.shape_cast %get3A_3 : vector<16xi32> to vector<16xi32>
    %add3A_5 = arith.constant 0 : i32
    %add3A_6 = arith.addi %mul3A_2, %add3A_5 : i32
    %add3A_7 = vector.broadcast %add3A_6 : i32 to vector<16xi32>
    %add3A_8 = arith.addi %add3A_7, %iota3A : vector<16xi32>
    %mul3A_9 = arith.constant 8 : i32
    %mul3A_10 = vector.broadcast %mul3A_9 : i32 to vector<16xi32>
    %mul3A_11 = arith.muli %add3A_8, %mul3A_10 : vector<16xi32>
    %add3A_12 = arith.addi %mul3A_11, %get3A_4 : vector<16xi32>
    %swap3A = arith.constant 0 : index
    %swap3A_13 = tpu.vector_load %arg6[%swap3A] {strides = array<i32>} : memref<128xi32, #tpu.memory_space<vmem>>, vector<16xi32>,
    %swap3A_14 = vector.shape_cast %swap3A_13 : vector<16xi32> to vector<16xi32>
    %swap3A_15 = vector.shape_cast %add3A_12 : vector<16xi32> to vector<16xi32>
    tpu.vector_store %arg6[%swap3A], %swap3A_15 {strides = array<i32>} : memref<128xi32, #tpu.memory_space<vmem>>, vector<16xi32>,
    %get3A_16 = arith.constant 16 : index
    %get3A_17 = tpu.vector_load %arg5[%get3A_16] {strides = array<i32>} : memref<512xi32, #tpu.memory_space<vmem>>, vector<16xi32>,
    %get3A_18 = vector.shape_cast %get3A_17 : vector<16xi32> to vector<16xi32>
    %add3A_19 = arith.constant 16 : i32
    %add3A_20 = arith.addi %mul3A_2, %add3A_19 : i32
    %add3A_21 = vector.broadcast %add3A_20 : i32 to vector<16xi32>
    %add3A_22 = arith.addi %add3A_21, %iota3A : vector<16xi32>
    %mul3A_23 = arith.constant 8 : i32
    %mul3A_24 = vector.broadcast %mul3A_23 : i32 to vector<16xi32>
    %mul3A_25 = arith.muli %add3A_22, %mul3A_24 : vector<16xi32>
    %add3A_26 = arith.addi %mul3A_25, %get3A_18 : vector<16xi32>
    %swap3A_27 = arith.constant 16 : index
    %swap3A_28 = tpu.vector_load %arg6[%swap3A_27] {strides = array<i32>} : memref<128xi32, #tpu.memory_space<vmem>>, vector<16xi32>,
    %swap3A_29 = vector.shape_cast %swap3A_28 : vector<16xi32> to vector<16xi32>
    %swap3A_30 = vector.shape_cast %add3A_26 : vector<16xi32> to vector<16xi32>
    tpu.vector_store %arg6[%swap3A_27], %swap3A_30 {strides = array<i32>} : memref<128xi32, #tpu.memory_space<vmem>>, vector<16xi32>,
    %get3A_31 = arith.constant 32 : index
    %get3A_32 = tpu.vector_load %arg5[%get3A_31] {strides = array<i32>} : memref<512xi32, #tpu.memory_space<vmem>>, vector<16xi32>,
    %get3A_33 = vector.shape_cast %get3A_32 : vector<16xi32> to vector<16xi32>
    %add3A_34 = arith.constant 32 : i32
    %add3A_35 = arith.addi %mul3A_2, %add3A_34 : i32
    %add3A_36 = vector.broadcast %add3A_35 : i32 to vector<16xi32>
    %add3A_37 = arith.addi %add3A_36, %iota3A : vector<16xi32>
    %mul3A_38 = arith.constant 8 : i32
    %mul3A_39 = vector.broadcast %mul3A_38 : i32 to vector<16xi32>
    %mul3A_40 = arith.muli %add3A_37, %mul3A_39 : vector<16xi32>
    %add3A_41 = arith.addi %mul3A_40, %get3A_33 : vector<16xi32>
    %swap3A_42 = arith.constant 32 : index
    %swap3A_43 = tpu.vector_load %arg6[%swap3A_42] {strides = array<i32>} : memref<128xi32, #tpu.memory_space<vmem>>, vector<16xi32>,
    %swap3A_44 = vector.shape_cast %swap3A_43 : vector<16xi32> to vector<16xi32>
    %swap3A_45 = vector.shape_cast %add3A_41 : vector<16xi32> to vector<16xi32>
    tpu.vector_store %arg6[%swap3A_42], %swap3A_45 {strides = array<i32>} : memref<128xi32, #tpu.memory_space<vmem>>, vector<16xi32>,
    %get3A_46 = arith.constant 48 : index
    %get3A_47 = tpu.vector_load %arg5[%get3A_46] {strides = array<i32>} : memref<512xi32, #tpu.memory_space<vmem>>, vector<16xi32>,
    %get3A_48 = vector.shape_cast %get3A_47 : vector<16xi32> to vector<16xi32>
    %add3A_49 = arith.constant 48 : i32
    %add3A_50 = arith.addi %mul3A_2, %add3A_49 : i32
    %add3A_51 = vector.broadcast %add3A_50 : i32 to vector<16xi32>
    %add3A_52 = arith.addi %add3A_51, %iota3A : vector<16xi32>
    %mul3A_53 = arith.constant 8 : i32
    %mul3A_54 = vector.broadcast %mul3A_53 : i32 to vector<16xi32>
    %mul3A_55 = arith.muli %add3A_52, %mul3A_54 : vector<16xi32>
    %add3A_56 = arith.addi %mul3A_55, %get3A_48 : vector<16xi32>
    %swap3A_57 = arith.constant 48 : index
    %swap3A_58 = tpu.vector_load %arg6[%swap3A_57] {strides = array<i32>} : memref<128xi32, #tpu.memory_space<vmem>>, vector<16xi32>,
    %swap3A_59 = vector.shape_cast %swap3A_58 : vector<16xi32> to vector<16xi32>
    %swap3A_60 = vector.shape_cast %add3A_56 : vector<16xi32> to vector<16xi32>
    tpu.vector_store %arg6[%swap3A_57], %swap3A_60 {strides = array<i32>} : memref<128xi32, #tpu.memory_space<vmem>>, vector<16xi32>,
    %get3A_61 = arith.constant 64 : index
    %get3A_62 = tpu.vector_load %arg5[%get3A_61] {strides = array<i32>} : memref<512xi32, #tpu.memory_space<vmem>>, vector<16xi32>,
    %get3A_63 = vector.shape_cast %get3A_62 : vector<16xi32> to vector<16xi32>
    %add3A_64 = arith.constant 64 : i32
    %add3A_65 = arith.addi %mul3A_2, %add3A_64 : i32
    %add3A_66 = vector.broadcast %add3A_65 : i32 to vector<16xi32>
    %add3A_67 = arith.addi %add3A_66, %iota3A : vector<16xi32>
    %mul3A_68 = arith.constant 8 : i32
    %mul3A_69 = vector.broadcast %mul3A_68 : i32 to vector<16xi32>
    %mul3A_70 = arith.muli %add3A_67, %mul3A_69 : vector<16xi32>
    %add3A_71 = arith.addi %mul3A_70, %get3A_63 : vector<16xi32>
    %swap3A_72 = arith.constant 64 : index
    %swap3A_73 = tpu.vector_load %arg6[%swap3A_72] {strides = array<i32>} : memref<128xi32, #tpu.memory_space<vmem>>, vector<16xi32>,
    %swap3A_74 = vector.shape_cast %swap3A_73 : vector<16xi32> to vector<16xi32>
    %swap3A_75 = vector.shape_cast %add3A_71 : vector<16xi32> to vector<16xi32>
    tpu.vector_store %arg6[%swap3A_72], %swap3A_75 {strides = array<i32>} : memref<128xi32, #tpu.memory_space<vmem>>, vector<16xi32>,
    %get3A_76 = arith.constant 80 : index
    %get3A_77 = tpu.vector_load %arg5[%get3A_76] {strides = array<i32>} : memref<512xi32, #tpu.memory_space<vmem>>, vector<16xi32>,
    %get3A_78 = vector.shape_cast %get3A_77 : vector<16xi32> to vector<16xi32>
    %add3A_79 = arith.constant 80 : i32
    %add3A_80 = arith.addi %mul3A_2, %add3A_79 : i32
    %add3A_81 = vector.broadcast %add3A_80 : i32 to vector<16xi32>
    %add3A_82 = arith.addi %add3A_81, %iota3A : vector<16xi32>
    %mul3A_83 = arith.constant 8 : i32
    %mul3A_84 = vector.broadcast %mul3A_83 : i32 to vector<16xi32>
    %mul3A_85 = arith.muli %add3A_82, %mul3A_84 : vector<16xi32>
    %add3A_86 = arith.addi %mul3A_85, %get3A_78 : vector<16xi32>
    %swap3A_87 = arith.constant 80 : index
    %swap3A_88 = tpu.vector_load %arg6[%swap3A_87] {strides = array<i32>} : memref<128xi32, #tpu.memory_space<vmem>>, vector<16xi32>,
    %swap3A_89 = vector.shape_cast %swap3A_88 : vector<16xi32> to vector<16xi32>
    %swap3A_90 = vector.shape_cast %add3A_86 : vector<16xi32> to vector<16xi32>
    tpu.vector_store %arg6[%swap3A_87], %swap3A_90 {strides = array<i32>} : memref<128xi32, #tpu.memory_space<vmem>>, vector<16xi32>,
    %get3A_91 = arith.constant 96 : index
    %get3A_92 = tpu.vector_load %arg5[%get3A_91] {strides = array<i32>} : memref<512xi32, #tpu.memory_space<vmem>>, vector<16xi32>,
    %get3A_93 = vector.shape_cast %get3A_92 : vector<16xi32> to vector<16xi32>
    %add3A_94 = arith.constant 96 : i32
    %add3A_95 = arith.addi %mul3A_2, %add3A_94 : i32
    %add3A_96 = vector.broadcast %add3A_95 : i32 to vector<16xi32>
    %add3A_97 = arith.addi %add3A_96, %iota3A : vector<16xi32>
    %mul3A_98 = arith.constant 8 : i32
    %mul3A_99 = vector.broadcast %mul3A_98 : i32 to vector<16xi32>
    %mul3A_100 = arith.muli %add3A_97, %mul3A_99 : vector<16xi32>
    %add3A_101 = arith.addi %mul3A_100, %get3A_93 : vector<16xi32>
    %swap3A_102 = arith.constant 96 : index
    %swap3A_103 = tpu.vector_load %arg6[%swap3A_102] {strides = array<i32>} : memref<128xi32, #tpu.memory_space<vmem>>, vector<16xi32>,
    %swap3A_104 = vector.shape_cast %swap3A_103 : vector<16xi32> to vector<16xi32>
    %swap3A_105 = vector.shape_cast %add3A_101 : vector<16xi32> to vector<16xi32>
    tpu.vector_store %arg6[%swap3A_102], %swap3A_105 {strides = array<i32>} : memref<128xi32, #tpu.memory_space<vmem>>, vector<16xi32>,
    %get3A_106 = arith.constant 112 : index
    %get3A_107 = tpu.vector_load %arg5[%get3A_106] {strides = array<i32>} : memref<512xi32, #tpu.memory_space<vmem>>, vector<16xi32>,
    %get3A_108 = vector.shape_cast %get3A_107 : vector<16xi32> to vector<16xi32>
    %add3A_109 = arith.constant 112 : i32
    %add3A_110 = arith.addi %mul3A_2, %add3A_109 : i32
    %add3A_111 = vector.broadcast %add3A_110 : i32 to vector<16xi32>
    %add3A_112 = arith.addi %add3A_111, %iota3A : vector<16xi32>
    %mul3A_113 = arith.constant 8 : i32
    %mul3A_114 = vector.broadcast %mul3A_113 : i32 to vector<16xi32>
    %mul3A_115 = arith.muli %add3A_112, %mul3A_114 : vector<16xi32>
    %add3A_116 = arith.addi %mul3A_115, %get3A_108 : vector<16xi32>
    %swap3A_117 = arith.constant 112 : index
    %swap3A_118 = tpu.vector_load %arg6[%swap3A_117] {strides = array<i32>} : memref<128xi32, #tpu.memory_space<vmem>>, vector<16xi32>,
    %swap3A_119 = vector.shape_cast %swap3A_118 : vector<16xi32> to vector<16xi32>
    %swap3A_120 = vector.shape_cast %add3A_116 : vector<16xi32> to vector<16xi32>
    tpu.vector_store %arg6[%swap3A_117], %swap3A_120 {strides = array<i32>} : memref<128xi32, #tpu.memory_space<vmem>>, vector<16xi32>,
    %get3A_121 = arith.constant 128 : index
    %get3A_122 = tpu.vector_load %arg5[%get3A_121] {strides = array<i32>} : memref<512xi32, #tpu.memory_space<vmem>>, vector<16xi32>,
    %get3A_123 = vector.shape_cast %get3A_122 : vector<16xi32> to vector<16xi32>
    %add3A_124 = arith.constant 128 : i32
    %add3A_125 = arith.addi %mul3A_2, %add3A_124 : i32
    %add3A_126 = vector.broadcast %add3A_125 : i32 to vector<16xi32>
    %add3A_127 = arith.addi %add3A_126, %iota3A : vector<16xi32>
    %mul3A_128 = arith.constant 8 : i32
    %mul3A_129 = vector.broadcast %mul3A_128 : i32 to vector<16xi32>
    %mul3A_130 = arith.muli %add3A_127, %mul3A_129 : vector<16xi32>
    %add3A_131 = arith.addi %mul3A_130, %get3A_123 : vector<16xi32>
    %swap3A_132 = arith.constant 0 : index
    %swap3A_133 = tpu.vector_load %arg7[%swap3A_132] {strides = array<i32>} : memref<128xi32, #tpu.memory_space<vmem>>, vector<16xi32>,
    %swap3A_134 = vector.shape_cast %swap3A_133 : vector<16xi32> to vector<16xi32>
    %swap3A_135 = vector.shape_cast %add3A_131 : vector<16xi32> to vector<16xi32>
    tpu.vector_store %arg7[%swap3A_132], %swap3A_135 {strides = array<i32>} : memref<128xi32, #tpu.memory_space<vmem>>, vector<16xi32>,
    %get3A_136 = arith.constant 144 : index
    %get3A_137 = tpu.vector_load %arg5[%get3A_136] {strides = array<i32>} : memref<512xi32, #tpu.memory_space<vmem>>, vector<16xi32>,
    %get3A_138 = vector.shape_cast %get3A_137 : vector<16xi32> to vector<16xi32>
    %add3A_139 = arith.constant 144 : i32
    %add3A_140 = arith.addi %mul3A_2, %add3A_139 : i32
    %add3A_141 = vector.broadcast %add3A_140 : i32 to vector<16xi32>
    %add3A_142 = arith.addi %add3A_141, %iota3A : vector<16xi32>
    %mul3A_143 = arith.constant 8 : i32
    %mul3A_144 = vector.broadcast %mul3A_143 : i32 to vector<16xi32>
    %mul3A_145 = arith.muli %add3A_142, %mul3A_144 : vector<16xi32>
    %add3A_146 = arith.addi %mul3A_145, %get3A_138 : vector<16xi32>
    %swap3A_147 = arith.constant 16 : index
    %swap3A_148 = tpu.vector_load %arg7[%swap3A_147] {strides = array<i32>} : memref<128xi32, #tpu.memory_space<vmem>>, vector<16xi32>,
    %swap3A_149 = vector.shape_cast %swap3A_148 : vector<16xi32> to vector<16xi32>
    %swap3A_150 = vector.shape_cast %add3A_146 : vector<16xi32> to vector<16xi32>
    tpu.vector_store %arg7[%swap3A_147], %swap3A_150 {strides = array<i32>} : memref<128xi32, #tpu.memory_space<vmem>>, vector<16xi32>,
    %get3A_151 = arith.constant 160 : index
    %get3A_152 = tpu.vector_load %arg5[%get3A_151] {strides = array<i32>} : memref<512xi32, #tpu.memory_space<vmem>>, vector<16xi32>,
    %get3A_153 = vector.shape_cast %get3A_152 : vector<16xi32> to vector<16xi32>
    %add3A_154 = arith.constant 160 : i32
    %add3A_155 = arith.addi %mul3A_2, %add3A_154 : i32
    %add3A_156 = vector.broadcast %add3A_155 : i32 to vector<16xi32>
    %add3A_157 = arith.addi %add3A_156, %iota3A : vector<16xi32>
    %mul3A_158 = arith.constant 8 : i32
    %mul3A_159 = vector.broadcast %mul3A_158 : i32 to vector<16xi32>
    %mul3A_160 = arith.muli %add3A_157, %mul3A_159 : vector<16xi32>
    %add3A_161 = arith.addi %mul3A_160, %get3A_153 : vector<16xi32>
    %swap3A_162 = arith.constant 32 : index
    %swap3A_163 = tpu.vector_load %arg7[%swap3A_162] {strides = array<i32>} : memref<128xi32, #tpu.memory_space<vmem>>, vector<16xi32>,
    %swap3A_164 = vector.shape_cast %swap3A_163 : vector<16xi32> to vector<16xi32>
    %swap3A_165 = vector.shape_cast %add3A_161 : vector<16xi32> to vector<16xi32>
    tpu.vector_store %arg7[%swap3A_162], %swap3A_165 {strides = array<i32>} : memref<128xi32, #tpu.memory_space<vmem>>, vector<16xi32>,
    %get3A_166 = arith.constant 176 : index
    %get3A_167 = tpu.vector_load %arg5[%get3A_166] {strides = array<i32>} : memref<512xi32, #tpu.memory_space<vmem>>, vector<16xi32>,
    %get3A_168 = vector.shape_cast %get3A_167 : vector<16xi32> to vector<16xi32>
    %add3A_169 = arith.constant 176 : i32
    %add3A_170 = arith.addi %mul3A_2, %add3A_169 : i32
    %add3A_171 = vector.broadcast %add3A_170 : i32 to vector<16xi32>
    %add3A_172 = arith.addi %add3A_171, %iota3A : vector<16xi32>
    %mul3A_173 = arith.constant 8 : i32
    %mul3A_174 = vector.broadcast %mul3A_173 : i32 to vector<16xi32>
    %mul3A_175 = arith.muli %add3A_172, %mul3A_174 : vector<16xi32>
    %add3A_176 = arith.addi %mul3A_175, %get3A_168 : vector<16xi32>
    %swap3A_177 = arith.constant 48 : index
    %swap3A_178 = tpu.vector_load %arg7[%swap3A_177] {strides = array<i32>} : memref<128xi32, #tpu.memory_space<vmem>>, vector<16xi32>,
    %swap3A_179 = vector.shape_cast %swap3A_178 : vector<16xi32> to vector<16xi32>
    %swap3A_180 = vector.shape_cast %add3A_176 : vector<16xi32> to vector<16xi32>
    tpu.vector_store %arg7[%swap3A_177], %swap3A_180 {strides = array<i32>} : memref<128xi32, #tpu.memory_space<vmem>>, vector<16xi32>,
    %get3A_181 = arith.constant 192 : index
    %get3A_182 = tpu.vector_load %arg5[%get3A_181] {strides = array<i32>} : memref<512xi32, #tpu.memory_space<vmem>>, vector<16xi32>,
    %get3A_183 = vector.shape_cast %get3A_182 : vector<16xi32> to vector<16xi32>
    %add3A_184 = arith.constant 192 : i32
    %add3A_185 = arith.addi %mul3A_2, %add3A_184 : i32
    %add3A_186 = vector.broadcast %add3A_185 : i32 to vector<16xi32>
    %add3A_187 = arith.addi %add3A_186, %iota3A : vector<16xi32>
    %mul3A_188 = arith.constant 8 : i32
    %mul3A_189 = vector.broadcast %mul3A_188 : i32 to vector<16xi32>
    %mul3A_190 = arith.muli %add3A_187, %mul3A_189 : vector<16xi32>
    %add3A_191 = arith.addi %mul3A_190, %get3A_183 : vector<16xi32>
    %swap3A_192 = arith.constant 64 : index
    %swap3A_193 = tpu.vector_load %arg7[%swap3A_192] {strides = array<i32>} : memref<128xi32, #tpu.memory_space<vmem>>, vector<16xi32>,
    %swap3A_194 = vector.shape_cast %swap3A_193 : vector<16xi32> to vector<16xi32>
    %swap3A_195 = vector.shape_cast %add3A_191 : vector<16xi32> to vector<16xi32>
    tpu.vector_store %arg7[%swap3A_192], %swap3A_195 {strides = array<i32>} : memref<128xi32, #tpu.memory_space<vmem>>, vector<16xi32>,
    %get3A_196 = arith.constant 208 : index
    %get3A_197 = tpu.vector_load %arg5[%get3A_196] {strides = array<i32>} : memref<512xi32, #tpu.memory_space<vmem>>, vector<16xi32>,
    %get3A_198 = vector.shape_cast %get3A_197 : vector<16xi32> to vector<16xi32>
    %add3A_199 = arith.constant 208 : i32
    %add3A_200 = arith.addi %mul3A_2, %add3A_199 : i32
    %add3A_201 = vector.broadcast %add3A_200 : i32 to vector<16xi32>
    %add3A_202 = arith.addi %add3A_201, %iota3A : vector<16xi32>
    %mul3A_203 = arith.constant 8 : i32
    %mul3A_204 = vector.broadcast %mul3A_203 : i32 to vector<16xi32>
    %mul3A_205 = arith.muli %add3A_202, %mul3A_204 : vector<16xi32>
    %add3A_206 = arith.addi %mul3A_205, %get3A_198 : vector<16xi32>
    %swap3A_207 = arith.constant 80 : index
    %swap3A_208 = tpu.vector_load %arg7[%swap3A_207] {strides = array<i32>} : memref<128xi32, #tpu.memory_space<vmem>>, vector<16xi32>,
    %swap3A_209 = vector.shape_cast %swap3A_208 : vector<16xi32> to vector<16xi32>
    %swap3A_210 = vector.shape_cast %add3A_206 : vector<16xi32> to vector<16xi32>
    tpu.vector_store %arg7[%swap3A_207], %swap3A_210 {strides = array<i32>} : memref<128xi32, #tpu.memory_space<vmem>>, vector<16xi32>,
    %get3A_211 = arith.constant 224 : index
    %get3A_212 = tpu.vector_load %arg5[%get3A_211] {strides = array<i32>} : memref<512xi32, #tpu.memory_space<vmem>>, vector<16xi32>,
    %get3A_213 = vector.shape_cast %get3A_212 : vector<16xi32> to vector<16xi32>
    %add3A_214 = arith.constant 224 : i32
    %add3A_215 = arith.addi %mul3A_2, %add3A_214 : i32
    %add3A_216 = vector.broadcast %add3A_215 : i32 to vector<16xi32>
    %add3A_217 = arith.addi %add3A_216, %iota3A : vector<16xi32>
    %mul3A_218 = arith.constant 8 : i32
    %mul3A_219 = vector.broadcast %mul3A_218 : i32 to vector<16xi32>
    %mul3A_220 = arith.muli %add3A_217, %mul3A_219 : vector<16xi32>
    %add3A_221 = arith.addi %mul3A_220, %get3A_213 : vector<16xi32>
    %swap3A_222 = arith.constant 96 : index
    %swap3A_223 = tpu.vector_load %arg7[%swap3A_222] {strides = array<i32>} : memref<128xi32, #tpu.memory_space<vmem>>, vector<16xi32>,
    %swap3A_224 = vector.shape_cast %swap3A_223 : vector<16xi32> to vector<16xi32>
    %swap3A_225 = vector.shape_cast %add3A_221 : vector<16xi32> to vector<16xi32>
    tpu.vector_store %arg7[%swap3A_222], %swap3A_225 {strides = array<i32>} : memref<128xi32, #tpu.memory_space<vmem>>, vector<16xi32>,
    %get3A_226 = arith.constant 240 : index
    %get3A_227 = tpu.vector_load %arg5[%get3A_226] {strides = array<i32>} : memref<512xi32, #tpu.memory_space<vmem>>, vector<16xi32>,
    %get3A_228 = vector.shape_cast %get3A_227 : vector<16xi32> to vector<16xi32>
    %add3A_229 = arith.constant 240 : i32
    %add3A_230 = arith.addi %mul3A_2, %add3A_229 : i32
    %add3A_231 = vector.broadcast %add3A_230 : i32 to vector<16xi32>
    %add3A_232 = arith.addi %add3A_231, %iota3A : vector<16xi32>
    %mul3A_233 = arith.constant 8 : i32
    %mul3A_234 = vector.broadcast %mul3A_233 : i32 to vector<16xi32>
    %mul3A_235 = arith.muli %add3A_232, %mul3A_234 : vector<16xi32>
    %add3A_236 = arith.addi %mul3A_235, %get3A_228 : vector<16xi32>
    %swap3A_237 = arith.constant 112 : index
    %swap3A_238 = tpu.vector_load %arg7[%swap3A_237] {strides = array<i32>} : memref<128xi32, #tpu.memory_space<vmem>>, vector<16xi32>,
    %swap3A_239 = vector.shape_cast %swap3A_238 : vector<16xi32> to vector<16xi32>
    %swap3A_240 = vector.shape_cast %add3A_236 : vector<16xi32> to vector<16xi32>
    tpu.vector_store %arg7[%swap3A_237], %swap3A_240 {strides = array<i32>} : memref<128xi32, #tpu.memory_space<vmem>>, vector<16xi32>,
    %get3A_241 = arith.constant 256 : index
    %get3A_242 = tpu.vector_load %arg5[%get3A_241] {strides = array<i32>} : memref<512xi32, #tpu.memory_space<vmem>>, vector<16xi32>,
    %get3A_243 = vector.shape_cast %get3A_242 : vector<16xi32> to vector<16xi32>
    %add3A_244 = arith.constant 256 : i32
    %add3A_245 = arith.addi %mul3A_2, %add3A_244 : i32
    %add3A_246 = vector.broadcast %add3A_245 : i32 to vector<16xi32>
    %add3A_247 = arith.addi %add3A_246, %iota3A : vector<16xi32>
    %mul3A_248 = arith.constant 8 : i32
    %mul3A_249 = vector.broadcast %mul3A_248 : i32 to vector<16xi32>
    %mul3A_250 = arith.muli %add3A_247, %mul3A_249 : vector<16xi32>
    %add3A_251 = arith.addi %mul3A_250, %get3A_243 : vector<16xi32>
    %swap3A_252 = arith.constant 0 : index
    %swap3A_253 = tpu.vector_load %arg8[%swap3A_252] {strides = array<i32>} : memref<128xi32, #tpu.memory_space<vmem>>, vector<16xi32>,
    %swap3A_254 = vector.shape_cast %swap3A_253 : vector<16xi32> to vector<16xi32>
    %swap3A_255 = vector.shape_cast %add3A_251 : vector<16xi32> to vector<16xi32>
    tpu.vector_store %arg8[%swap3A_252], %swap3A_255 {strides = array<i32>} : memref<128xi32, #tpu.memory_space<vmem>>, vector<16xi32>,
    %get3A_256 = arith.constant 272 : index
    %get3A_257 = tpu.vector_load %arg5[%get3A_256] {strides = array<i32>} : memref<512xi32, #tpu.memory_space<vmem>>, vector<16xi32>,
    %get3A_258 = vector.shape_cast %get3A_257 : vector<16xi32> to vector<16xi32>
    %add3A_259 = arith.constant 272 : i32
    %add3A_260 = arith.addi %mul3A_2, %add3A_259 : i32
    %add3A_261 = vector.broadcast %add3A_260 : i32 to vector<16xi32>
    %add3A_262 = arith.addi %add3A_261, %iota3A : vector<16xi32>
    %mul3A_263 = arith.constant 8 : i32
    %mul3A_264 = vector.broadcast %mul3A_263 : i32 to vector<16xi32>
    %mul3A_265 = arith.muli %add3A_262, %mul3A_264 : vector<16xi32>
    %add3A_266 = arith.addi %mul3A_265, %get3A_258 : vector<16xi32>
    %swap3A_267 = arith.constant 16 : index
    %swap3A_268 = tpu.vector_load %arg8[%swap3A_267] {strides = array<i32>} : memref<128xi32, #tpu.memory_space<vmem>>, vector<16xi32>,
    %swap3A_269 = vector.shape_cast %swap3A_268 : vector<16xi32> to vector<16xi32>
    %swap3A_270 = vector.shape_cast %add3A_266 : vector<16xi32> to vector<16xi32>
    tpu.vector_store %arg8[%swap3A_267], %swap3A_270 {strides = array<i32>} : memref<128xi32, #tpu.memory_space<vmem>>, vector<16xi32>,
    %get3A_271 = arith.constant 288 : index
    %get3A_272 = tpu.vector_load %arg5[%get3A_271] {strides = array<i32>} : memref<512xi32, #tpu.memory_space<vmem>>, vector<16xi32>,
    %get3A_273 = vector.shape_cast %get3A_272 : vector<16xi32> to vector<16xi32>
    %add3A_274 = arith.constant 288 : i32
    %add3A_275 = arith.addi %mul3A_2, %add3A_274 : i32
    %add3A_276 = vector.broadcast %add3A_275 : i32 to vector<16xi32>
    %add3A_277 = arith.addi %add3A_276, %iota3A : vector<16xi32>
    %mul3A_278 = arith.constant 8 : i32
    %mul3A_279 = vector.broadcast %mul3A_278 : i32 to vector<16xi32>
    %mul3A_280 = arith.muli %add3A_277, %mul3A_279 : vector<16xi32>
    %add3A_281 = arith.addi %mul3A_280, %get3A_273 : vector<16xi32>
    %swap3A_282 = arith.constant 32 : index
    %swap3A_283 = tpu.vector_load %arg8[%swap3A_282] {strides = array<i32>} : memref<128xi32, #tpu.memory_space<vmem>>, vector<16xi32>,
    %swap3A_284 = vector.shape_cast %swap3A_283 : vector<16xi32> to vector<16xi32>
    %swap3A_285 = vector.shape_cast %add3A_281 : vector<16xi32> to vector<16xi32>
    tpu.vector_store %arg8[%swap3A_282], %swap3A_285 {strides = array<i32>} : memref<128xi32, #tpu.memory_space<vmem>>, vector<16xi32>,
    %get3A_286 = arith.constant 304 : index
    %get3A_287 = tpu.vector_load %arg5[%get3A_286] {strides = array<i32>} : memref<512xi32, #tpu.memory_space<vmem>>, vector<16xi32>,
    %get3A_288 = vector.shape_cast %get3A_287 : vector<16xi32> to vector<16xi32>
    %add3A_289 = arith.constant 304 : i32
    %add3A_290 = arith.addi %mul3A_2, %add3A_289 : i32
    %add3A_291 = vector.broadcast %add3A_290 : i32 to vector<16xi32>
    %add3A_292 = arith.addi %add3A_291, %iota3A : vector<16xi32>
    %mul3A_293 = arith.constant 8 : i32
    %mul3A_294 = vector.broadcast %mul3A_293 : i32 to vector<16xi32>
    %mul3A_295 = arith.muli %add3A_292, %mul3A_294 : vector<16xi32>
    %add3A_296 = arith.addi %mul3A_295, %get3A_288 : vector<16xi32>
    %swap3A_297 = arith.constant 48 : index
    %swap3A_298 = tpu.vector_load %arg8[%swap3A_297] {strides = array<i32>} : memref<128xi32, #tpu.memory_space<vmem>>, vector<16xi32>,
    %swap3A_299 = vector.shape_cast %swap3A_298 : vector<16xi32> to vector<16xi32>
    %swap3A_300 = vector.shape_cast %add3A_296 : vector<16xi32> to vector<16xi32>
    tpu.vector_store %arg8[%swap3A_297], %swap3A_300 {strides = array<i32>} : memref<128xi32, #tpu.memory_space<vmem>>, vector<16xi32>,
    %get3A_301 = arith.constant 320 : index
    %get3A_302 = tpu.vector_load %arg5[%get3A_301] {strides = array<i32>} : memref<512xi32, #tpu.memory_space<vmem>>, vector<16xi32>,
    %get3A_303 = vector.shape_cast %get3A_302 : vector<16xi32> to vector<16xi32>
    %add3A_304 = arith.constant 320 : i32
    %add3A_305 = arith.addi %mul3A_2, %add3A_304 : i32
    %add3A_306 = vector.broadcast %add3A_305 : i32 to vector<16xi32>
    %add3A_307 = arith.addi %add3A_306, %iota3A : vector<16xi32>
    %mul3A_308 = arith.constant 8 : i32
    %mul3A_309 = vector.broadcast %mul3A_308 : i32 to vector<16xi32>
    %mul3A_310 = arith.muli %add3A_307, %mul3A_309 : vector<16xi32>
    %add3A_311 = arith.addi %mul3A_310, %get3A_303 : vector<16xi32>
    %swap3A_312 = arith.constant 64 : index
    %swap3A_313 = tpu.vector_load %arg8[%swap3A_312] {strides = array<i32>} : memref<128xi32, #tpu.memory_space<vmem>>, vector<16xi32>,
    %swap3A_314 = vector.shape_cast %swap3A_313 : vector<16xi32> to vector<16xi32>
    %swap3A_315 = vector.shape_cast %add3A_311 : vector<16xi32> to vector<16xi32>
    tpu.vector_store %arg8[%swap3A_312], %swap3A_315 {strides = array<i32>} : memref<128xi32, #tpu.memory_space<vmem>>, vector<16xi32>,
    %get3A_316 = arith.constant 336 : index
    %get3A_317 = tpu.vector_load %arg5[%get3A_316] {strides = array<i32>} : memref<512xi32, #tpu.memory_space<vmem>>, vector<16xi32>,
    %get3A_318 = vector.shape_cast %get3A_317 : vector<16xi32> to vector<16xi32>
    %add3A_319 = arith.constant 336 : i32
    %add3A_320 = arith.addi %mul3A_2, %add3A_319 : i32
    %add3A_321 = vector.broadcast %add3A_320 : i32 to vector<16xi32>
    %add3A_322 = arith.addi %add3A_321, %iota3A : vector<16xi32>
    %mul3A_323 = arith.constant 8 : i32
    %mul3A_324 = vector.broadcast %mul3A_323 : i32 to vector<16xi32>
    %mul3A_325 = arith.muli %add3A_322, %mul3A_324 : vector<16xi32>
    %add3A_326 = arith.addi %mul3A_325, %get3A_318 : vector<16xi32>
    %swap3A_327 = arith.constant 80 : index
    %swap3A_328 = tpu.vector_load %arg8[%swap3A_327] {strides = array<i32>} : memref<128xi32, #tpu.memory_space<vmem>>, vector<16xi32>,
    %swap3A_329 = vector.shape_cast %swap3A_328 : vector<16xi32> to vector<16xi32>
    %swap3A_330 = vector.shape_cast %add3A_326 : vector<16xi32> to vector<16xi32>
    tpu.vector_store %arg8[%swap3A_327], %swap3A_330 {strides = array<i32>} : memref<128xi32, #tpu.memory_space<vmem>>, vector<16xi32>,
    %get3A_331 = arith.constant 352 : index
    %get3A_332 = tpu.vector_load %arg5[%get3A_331] {strides = array<i32>} : memref<512xi32, #tpu.memory_space<vmem>>, vector<16xi32>,
    %get3A_333 = vector.shape_cast %get3A_332 : vector<16xi32> to vector<16xi32>
    %add3A_334 = arith.constant 352 : i32
    %add3A_335 = arith.addi %mul3A_2, %add3A_334 : i32
    %add3A_336 = vector.broadcast %add3A_335 : i32 to vector<16xi32>
    %add3A_337 = arith.addi %add3A_336, %iota3A : vector<16xi32>
    %mul3A_338 = arith.constant 8 : i32
    %mul3A_339 = vector.broadcast %mul3A_338 : i32 to vector<16xi32>
    %mul3A_340 = arith.muli %add3A_337, %mul3A_339 : vector<16xi32>
    %add3A_341 = arith.addi %mul3A_340, %get3A_333 : vector<16xi32>
    %swap3A_342 = arith.constant 96 : index
    %swap3A_343 = tpu.vector_load %arg8[%swap3A_342] {strides = array<i32>} : memref<128xi32, #tpu.memory_space<vmem>>, vector<16xi32>,
    %swap3A_344 = vector.shape_cast %swap3A_343 : vector<16xi32> to vector<16xi32>
    %swap3A_345 = vector.shape_cast %add3A_341 : vector<16xi32> to vector<16xi32>
    tpu.vector_store %arg8[%swap3A_342], %swap3A_345 {strides = array<i32>} : memref<128xi32, #tpu.memory_space<vmem>>, vector<16xi32>,
    %get3A_346 = arith.constant 368 : index
    %get3A_347 = tpu.vector_load %arg5[%get3A_346] {strides = array<i32>} : memref<512xi32, #tpu.memory_space<vmem>>, vector<16xi32>,
    %get3A_348 = vector.shape_cast %get3A_347 : vector<16xi32> to vector<16xi32>
    %add3A_349 = arith.constant 368 : i32
    %add3A_350 = arith.addi %mul3A_2, %add3A_349 : i32
    %add3A_351 = vector.broadcast %add3A_350 : i32 to vector<16xi32>
    %add3A_352 = arith.addi %add3A_351, %iota3A : vector<16xi32>
    %mul3A_353 = arith.constant 8 : i32
    %mul3A_354 = vector.broadcast %mul3A_353 : i32 to vector<16xi32>
    %mul3A_355 = arith.muli %add3A_352, %mul3A_354 : vector<16xi32>
    %add3A_356 = arith.addi %mul3A_355, %get3A_348 : vector<16xi32>
    %swap3A_357 = arith.constant 112 : index
    %swap3A_358 = tpu.vector_load %arg8[%swap3A_357] {strides = array<i32>} : memref<128xi32, #tpu.memory_space<vmem>>, vector<16xi32>,
    %swap3A_359 = vector.shape_cast %swap3A_358 : vector<16xi32> to vector<16xi32>
    %swap3A_360 = vector.shape_cast %add3A_356 : vector<16xi32> to vector<16xi32>
    tpu.vector_store %arg8[%swap3A_357], %swap3A_360 {strides = array<i32>} : memref<128xi32, #tpu.memory_space<vmem>>, vector<16xi32>,
    %get3A_361 = arith.constant 384 : index
    %get3A_362 = tpu.vector_load %arg5[%get3A_361] {strides = array<i32>} : memref<512xi32, #tpu.memory_space<vmem>>, vector<16xi32>,
    %get3A_363 = vector.shape_cast %get3A_362 : vector<16xi32> to vector<16xi32>
    %add3A_364 = arith.constant 384 : i32
    %add3A_365 = arith.addi %mul3A_2, %add3A_364 : i32
    %add3A_366 = vector.broadcast %add3A_365 : i32 to vector<16xi32>
    %add3A_367 = arith.addi %add3A_366, %iota3A : vector<16xi32>
    %mul3A_368 = arith.constant 8 : i32
    %mul3A_369 = vector.broadcast %mul3A_368 : i32 to vector<16xi32>
    %mul3A_370 = arith.muli %add3A_367, %mul3A_369 : vector<16xi32>
    %add3A_371 = arith.addi %mul3A_370, %get3A_363 : vector<16xi32>
    %swap3A_372 = arith.constant 0 : index
    %swap3A_373 = tpu.vector_load %arg9[%swap3A_372] {strides = array<i32>} : memref<128xi32, #tpu.memory_space<vmem>>, vector<16xi32>,
    %swap3A_374 = vector.shape_cast %swap3A_373 : vector<16xi32> to vector<16xi32>
    %swap3A_375 = vector.shape_cast %add3A_371 : vector<16xi32> to vector<16xi32>
    tpu.vector_store %arg9[%swap3A_372], %swap3A_375 {strides = array<i32>} : memref<128xi32, #tpu.memory_space<vmem>>, vector<16xi32>,
    %get3A_376 = arith.constant 400 : index
    %get3A_377 = tpu.vector_load %arg5[%get3A_376] {strides = array<i32>} : memref<512xi32, #tpu.memory_space<vmem>>, vector<16xi32>,
    %get3A_378 = vector.shape_cast %get3A_377 : vector<16xi32> to vector<16xi32>
    %add3A_379 = arith.constant 400 : i32
    %add3A_380 = arith.addi %mul3A_2, %add3A_379 : i32
    %add3A_381 = vector.broadcast %add3A_380 : i32 to vector<16xi32>
    %add3A_382 = arith.addi %add3A_381, %iota3A : vector<16xi32>
    %mul3A_383 = arith.constant 8 : i32
    %mul3A_384 = vector.broadcast %mul3A_383 : i32 to vector<16xi32>
    %mul3A_385 = arith.muli %add3A_382, %mul3A_384 : vector<16xi32>
    %add3A_386 = arith.addi %mul3A_385, %get3A_378 : vector<16xi32>
    %swap3A_387 = arith.constant 16 : index
    %swap3A_388 = tpu.vector_load %arg9[%swap3A_387] {strides = array<i32>} : memref<128xi32, #tpu.memory_space<vmem>>, vector<16xi32>,
    %swap3A_389 = vector.shape_cast %swap3A_388 : vector<16xi32> to vector<16xi32>
    %swap3A_390 = vector.shape_cast %add3A_386 : vector<16xi32> to vector<16xi32>
    tpu.vector_store %arg9[%swap3A_387], %swap3A_390 {strides = array<i32>} : memref<128xi32, #tpu.memory_space<vmem>>, vector<16xi32>,
    %get3A_391 = arith.constant 416 : index
    %get3A_392 = tpu.vector_load %arg5[%get3A_391] {strides = array<i32>} : memref<512xi32, #tpu.memory_space<vmem>>, vector<16xi32>,
    %get3A_393 = vector.shape_cast %get3A_392 : vector<16xi32> to vector<16xi32>
    %add3A_394 = arith.constant 416 : i32
    %add3A_395 = arith.addi %mul3A_2, %add3A_394 : i32
    %add3A_396 = vector.broadcast %add3A_395 : i32 to vector<16xi32>
    %add3A_397 = arith.addi %add3A_396, %iota3A : vector<16xi32>
    %mul3A_398 = arith.constant 8 : i32
    %mul3A_399 = vector.broadcast %mul3A_398 : i32 to vector<16xi32>
    %mul3A_400 = arith.muli %add3A_397, %mul3A_399 : vector<16xi32>
    %add3A_401 = arith.addi %mul3A_400, %get3A_393 : vector<16xi32>
    %swap3A_402 = arith.constant 32 : index
    %swap3A_403 = tpu.vector_load %arg9[%swap3A_402] {strides = array<i32>} : memref<128xi32, #tpu.memory_space<vmem>>, vector<16xi32>,
    %swap3A_404 = vector.shape_cast %swap3A_403 : vector<16xi32> to vector<16xi32>
    %swap3A_405 = vector.shape_cast %add3A_401 : vector<16xi32> to vector<16xi32>
    tpu.vector_store %arg9[%swap3A_402], %swap3A_405 {strides = array<i32>} : memref<128xi32, #tpu.memory_space<vmem>>, vector<16xi32>,
    %get3A_406 = arith.constant 432 : index
    %get3A_407 = tpu.vector_load %arg5[%get3A_406] {strides = array<i32>} : memref<512xi32, #tpu.memory_space<vmem>>, vector<16xi32>,
    %get3A_408 = vector.shape_cast %get3A_407 : vector<16xi32> to vector<16xi32>
    %add3A_409 = arith.constant 432 : i32
    %add3A_410 = arith.addi %mul3A_2, %add3A_409 : i32
    %add3A_411 = vector.broadcast %add3A_410 : i32 to vector<16xi32>
    %add3A_412 = arith.addi %add3A_411, %iota3A : vector<16xi32>
    %mul3A_413 = arith.constant 8 : i32
    %mul3A_414 = vector.broadcast %mul3A_413 : i32 to vector<16xi32>
    %mul3A_415 = arith.muli %add3A_412, %mul3A_414 : vector<16xi32>
    %add3A_416 = arith.addi %mul3A_415, %get3A_408 : vector<16xi32>
    %swap3A_417 = arith.constant 48 : index
    %swap3A_418 = tpu.vector_load %arg9[%swap3A_417] {strides = array<i32>} : memref<128xi32, #tpu.memory_space<vmem>>, vector<16xi32>,
    %swap3A_419 = vector.shape_cast %swap3A_418 : vector<16xi32> to vector<16xi32>
    %swap3A_420 = vector.shape_cast %add3A_416 : vector<16xi32> to vector<16xi32>
    tpu.vector_store %arg9[%swap3A_417], %swap3A_420 {strides = array<i32>} : memref<128xi32, #tpu.memory_space<vmem>>, vector<16xi32>,
    %get3A_421 = arith.constant 448 : index
    %get3A_422 = tpu.vector_load %arg5[%get3A_421] {strides = array<i32>} : memref<512xi32, #tpu.memory_space<vmem>>, vector<16xi32>,
    %get3A_423 = vector.shape_cast %get3A_422 : vector<16xi32> to vector<16xi32>
    %add3A_424 = arith.constant 448 : i32
    %add3A_425 = arith.addi %mul3A_2, %add3A_424 : i32
    %add3A_426 = vector.broadcast %add3A_425 : i32 to vector<16xi32>
    %add3A_427 = arith.addi %add3A_426, %iota3A : vector<16xi32>
    %mul3A_428 = arith.constant 8 : i32
    %mul3A_429 = vector.broadcast %mul3A_428 : i32 to vector<16xi32>
    %mul3A_430 = arith.muli %add3A_427, %mul3A_429 : vector<16xi32>
    %add3A_431 = arith.addi %mul3A_430, %get3A_423 : vector<16xi32>
    %swap3A_432 = arith.constant 64 : index
    %swap3A_433 = tpu.vector_load %arg9[%swap3A_432] {strides = array<i32>} : memref<128xi32, #tpu.memory_space<vmem>>, vector<16xi32>,
    %swap3A_434 = vector.shape_cast %swap3A_433 : vector<16xi32> to vector<16xi32>
    %swap3A_435 = vector.shape_cast %add3A_431 : vector<16xi32> to vector<16xi32>
    tpu.vector_store %arg9[%swap3A_432], %swap3A_435 {strides = array<i32>} : memref<128xi32, #tpu.memory_space<vmem>>, vector<16xi32>,
    %get3A_436 = arith.constant 464 : index
    %get3A_437 = tpu.vector_load %arg5[%get3A_436] {strides = array<i32>} : memref<512xi32, #tpu.memory_space<vmem>>, vector<16xi32>,
    %get3A_438 = vector.shape_cast %get3A_437 : vector<16xi32> to vector<16xi32>
    %add3A_439 = arith.constant 464 : i32
    %add3A_440 = arith.addi %mul3A_2, %add3A_439 : i32
    %add3A_441 = vector.broadcast %add3A_440 : i32 to vector<16xi32>
    %add3A_442 = arith.addi %add3A_441, %iota3A : vector<16xi32>
    %mul3A_443 = arith.constant 8 : i32
    %mul3A_444 = vector.broadcast %mul3A_443 : i32 to vector<16xi32>
    %mul3A_445 = arith.muli %add3A_442, %mul3A_444 : vector<16xi32>
    %add3A_446 = arith.addi %mul3A_445, %get3A_438 : vector<16xi32>
    %swap3A_447 = arith.constant 80 : index
    %swap3A_448 = tpu.vector_load %arg9[%swap3A_447] {strides = array<i32>} : memref<128xi32, #tpu.memory_space<vmem>>, vector<16xi32>,
    %swap3A_449 = vector.shape_cast %swap3A_448 : vector<16xi32> to vector<16xi32>
    %swap3A_450 = vector.shape_cast %add3A_446 : vector<16xi32> to vector<16xi32>
    tpu.vector_store %arg9[%swap3A_447], %swap3A_450 {strides = array<i32>} : memref<128xi32, #tpu.memory_space<vmem>>, vector<16xi32>,
    %get3A_451 = arith.constant 480 : index
    %get3A_452 = tpu.vector_load %arg5[%get3A_451] {strides = array<i32>} : memref<512xi32, #tpu.memory_space<vmem>>, vector<16xi32>,
    %get3A_453 = vector.shape_cast %get3A_452 : vector<16xi32> to vector<16xi32>
    %add3A_454 = arith.constant 480 : i32
    %add3A_455 = arith.addi %mul3A_2, %add3A_454 : i32
    %add3A_456 = vector.broadcast %add3A_455 : i32 to vector<16xi32>
    %add3A_457 = arith.addi %add3A_456, %iota3A : vector<16xi32>
    %mul3A_458 = arith.constant 8 : i32
    %mul3A_459 = vector.broadcast %mul3A_458 : i32 to vector<16xi32>
    %mul3A_460 = arith.muli %add3A_457, %mul3A_459 : vector<16xi32>
    %add3A_461 = arith.addi %mul3A_460, %get3A_453 : vector<16xi32>
    %swap3A_462 = arith.constant 96 : index
    %swap3A_463 = tpu.vector_load %arg9[%swap3A_462] {strides = array<i32>} : memref<128xi32, #tpu.memory_space<vmem>>, vector<16xi32>,
    %swap3A_464 = vector.shape_cast %swap3A_463 : vector<16xi32> to vector<16xi32>
    %swap3A_465 = vector.shape_cast %add3A_461 : vector<16xi32> to vector<16xi32>
    tpu.vector_store %arg9[%swap3A_462], %swap3A_465 {strides = array<i32>} : memref<128xi32, #tpu.memory_space<vmem>>, vector<16xi32>,
    %get3A_466 = arith.constant 496 : index
    %get3A_467 = tpu.vector_load %arg5[%get3A_466] {strides = array<i32>} : memref<512xi32, #tpu.memory_space<vmem>>, vector<16xi32>,
    %get3A_468 = vector.shape_cast %get3A_467 : vector<16xi32> to vector<16xi32>
    %add3A_469 = arith.constant 496 : i32
    %add3A_470 = arith.addi %mul3A_2, %add3A_469 : i32
    %add3A_471 = vector.broadcast %add3A_470 : i32 to vector<16xi32>
    %add3A_472 = arith.addi %add3A_471, %iota3A : vector<16xi32>
    %mul3A_473 = arith.constant 8 : i32
    %mul3A_474 = vector.broadcast %mul3A_473 : i32 to vector<16xi32>
    %mul3A_475 = arith.muli %add3A_472, %mul3A_474 : vector<16xi32>
    %add3A_476 = arith.addi %mul3A_475, %get3A_468 : vector<16xi32>
    %swap3A_477 = arith.constant 112 : index
    %swap3A_478 = tpu.vector_load %arg9[%swap3A_477] {strides = array<i32>} : memref<128xi32, #tpu.memory_space<vmem>>, vector<16xi32>,
    %swap3A_479 = vector.shape_cast %swap3A_478 : vector<16xi32> to vector<16xi32>
    %swap3A_480 = vector.shape_cast %add3A_476 : vector<16xi32> to vector<16xi32>
    tpu.vector_store %arg9[%swap3A_477], %swap3A_480 {strides = array<i32>} : memref<128xi32, #tpu.memory_space<vmem>>, vector<16xi32>,
    %dma_start3A = arith.constant 0 : i32
    %dma_start3A_481 = arith.constant 0 : i32
    %dma_start3A_482 = tpu.memref_slice %arg10[%dma_start3A, %dma_start3A_481] : memref<512x16xf32, #tpu.memory_space<vmem>> -> memref<128x16xf32, #tpu.memory_space<vmem>>
    %dma_start3A_483 = arith.constant 0 : i32
    %dma_start3A_484 = arith.constant 0 : i32
    %dma_start3A_485 = tpu.memref_slice %arg2[%dma_start3A_483, %dma_start3A_484] : memref<131072x16xf32, #tpu.memory_space<hbm>> -> memref<131072x16xf32, #tpu.memory_space<hbm>>
    tpu.enqueue_indirect_dma source(%dma_start3A_485 : memref<131072x16xf32, #tpu.memory_space<hbm>>) target(%dma_start3A_482 : memref<128x16xf32, #tpu.memory_space<vmem>>) offsets(%arg6 : memref<128xi32, #tpu.memory_space<vmem>>) semaphore(%arg11 : memref<!tpu.dma_semaphore, #tpu.memory_space<semaphore_mem>>)
    %dma_start3A_486 = arith.constant 128 : i32
    %dma_start3A_487 = arith.constant 0 : i32
    %dma_start3A_488 = tpu.memref_slice %arg10[%dma_start3A_486, %dma_start3A_487] : memref<512x16xf32, #tpu.memory_space<vmem>> -> memref<128x16xf32, #tpu.memory_space<vmem>>
    %dma_start3A_489 = arith.constant 0 : i32
    %dma_start3A_490 = arith.constant 0 : i32
    %dma_start3A_491 = tpu.memref_slice %arg2[%dma_start3A_489, %dma_start3A_490] : memref<131072x16xf32, #tpu.memory_space<hbm>> -> memref<131072x16xf32, #tpu.memory_space<hbm>>
    tpu.enqueue_indirect_dma source(%dma_start3A_491 : memref<131072x16xf32, #tpu.memory_space<hbm>>) target(%dma_start3A_488 : memref<128x16xf32, #tpu.memory_space<vmem>>) offsets(%arg7 : memref<128xi32, #tpu.memory_space<vmem>>) semaphore(%arg11 : memref<!tpu.dma_semaphore, #tpu.memory_space<semaphore_mem>>)
    %dma_start3A_492 = arith.constant 256 : i32
    %dma_start3A_493 = arith.constant 0 : i32
    %dma_start3A_494 = tpu.memref_slice %arg10[%dma_start3A_492, %dma_start3A_493] : memref<512x16xf32, #tpu.memory_space<vmem>> -> memref<128x16xf32, #tpu.memory_space<vmem>>
    %dma_start3A_495 = arith.constant 0 : i32
    %dma_start3A_496 = arith.constant 0 : i32
    %dma_start3A_497 = tpu.memref_slice %arg2[%dma_start3A_495, %dma_start3A_496] : memref<131072x16xf32, #tpu.memory_space<hbm>> -> memref<131072x16xf32, #tpu.memory_space<hbm>>
    tpu.enqueue_indirect_dma source(%dma_start3A_497 : memref<131072x16xf32, #tpu.memory_space<hbm>>) target(%dma_start3A_494 : memref<128x16xf32, #tpu.memory_space<vmem>>) offsets(%arg8 : memref<128xi32, #tpu.memory_space<vmem>>) semaphore(%arg11 : memref<!tpu.dma_semaphore, #tpu.memory_space<semaphore_mem>>)
    %dma_start3A_498 = arith.constant 384 : i32
    %dma_start3A_499 = arith.constant 0 : i32
    %dma_start3A_500 = tpu.memref_slice %arg10[%dma_start3A_498, %dma_start3A_499] : memref<512x16xf32, #tpu.memory_space<vmem>> -> memref<128x16xf32, #tpu.memory_space<vmem>>
    %dma_start3A_501 = arith.constant 0 : i32
    %dma_start3A_502 = arith.constant 0 : i32
    %dma_start3A_503 = tpu.memref_slice %arg2[%dma_start3A_501, %dma_start3A_502] : memref<131072x16xf32, #tpu.memory_space<hbm>> -> memref<131072x16xf32, #tpu.memory_space<hbm>>
    tpu.enqueue_indirect_dma source(%dma_start3A_503 : memref<131072x16xf32, #tpu.memory_space<hbm>>) target(%dma_start3A_500 : memref<128x16xf32, #tpu.memory_space<vmem>>) offsets(%arg9 : memref<128xi32, #tpu.memory_space<vmem>>) semaphore(%arg11 : memref<!tpu.dma_semaphore, #tpu.memory_space<semaphore_mem>>)
    %dma_wait3A = arith.constant 0 : i32
    %dma_wait3A_504 = arith.constant 0 : i32
    %dma_wait3A_505 = tpu.memref_slice %arg10[%dma_wait3A, %dma_wait3A_504] : memref<512x16xf32, #tpu.memory_space<vmem>> -> memref<128x16xf32, #tpu.memory_space<vmem>>
    %dma_wait3A_506 = arith.constant 0 : i32
    %dma_wait3A_507 = arith.constant 0 : i32
    %dma_wait3A_508 = tpu.memref_slice %arg2[%dma_wait3A_506, %dma_wait3A_507] : memref<131072x16xf32, #tpu.memory_space<hbm>> -> memref<131072x16xf32, #tpu.memory_space<hbm>>
    tpu.wait_indirect_dma semaphore(%arg11 : memref<!tpu.dma_semaphore, #tpu.memory_space<semaphore_mem>>) src(%dma_wait3A_508 : memref<131072x16xf32, #tpu.memory_space<hbm>>) dst(%dma_wait3A_505 : memref<128x16xf32, #tpu.memory_space<vmem>>)
    %add3A_509 = arith.constant 0 : i32
    %add3A_510 = arith.addi %mul3A_2, %add3A_509 : i32
    %dma_start3A_511 = arith.constant 0 : i32
    %dma_start3A_512 = arith.constant 0 : i32
    %dma_start3A_513 = tpu.memref_slice %arg10[%dma_start3A_511, %dma_start3A_512] : memref<512x16xf32, #tpu.memory_space<vmem>> -> memref<128x16xf32, #tpu.memory_space<vmem>>
    %dma_start3A_514 = arith.constant 0 : i32
    %dma_start3A_515 = tpu.memref_slice %arg4[%add3A_510, %dma_start3A_514] : memref<16384x16xf32, #tpu.memory_space<hbm>> -> memref<128x16xf32, #tpu.memory_space<hbm>>
    %dma_start3A_516 = arith.constant 0 : i32
    %dma_start3A_517 = tpu.memref_slice %arg4[%add3A_510, %dma_start3A_516] : memref<16384x16xf32, #tpu.memory_space<hbm>> -> memref<128x16xf32, #tpu.memory_space<hbm>>
    %dma_start3A_518 = arith.constant 0 : i32
    %dma_start3A_519 = arith.constant 0 : i32
    %dma_start3A_520 = tpu.memref_slice %arg10[%dma_start3A_518, %dma_start3A_519] : memref<512x16xf32, #tpu.memory_space<vmem>> -> memref<128x16xf32, #tpu.memory_space<vmem>>
    tpu.enqueue_dma source(%dma_start3A_520 : memref<128x16xf32, #tpu.memory_space<vmem>>) target(%dma_start3A_517 : memref<128x16xf32, #tpu.memory_space<hbm>>) target_semaphore(%arg12 : memref<!tpu.dma_semaphore, #tpu.memory_space<semaphore_mem>>)
    %dma_wait3A_521 = arith.constant 128 : i32
    %dma_wait3A_522 = arith.constant 0 : i32
    %dma_wait3A_523 = tpu.memref_slice %arg10[%dma_wait3A_521, %dma_wait3A_522] : memref<512x16xf32, #tpu.memory_space<vmem>> -> memref<128x16xf32, #tpu.memory_space<vmem>>
    %dma_wait3A_524 = arith.constant 0 : i32
    %dma_wait3A_525 = arith.constant 0 : i32
    %dma_wait3A_526 = tpu.memref_slice %arg2[%dma_wait3A_524, %dma_wait3A_525] : memref<131072x16xf32, #tpu.memory_space<hbm>> -> memref<131072x16xf32, #tpu.memory_space<hbm>>
    tpu.wait_indirect_dma semaphore(%arg11 : memref<!tpu.dma_semaphore, #tpu.memory_space<semaphore_mem>>) src(%dma_wait3A_526 : memref<131072x16xf32, #tpu.memory_space<hbm>>) dst(%dma_wait3A_523 : memref<128x16xf32, #tpu.memory_space<vmem>>)
    %add3A_527 = arith.constant 128 : i32
    %add3A_528 = arith.addi %mul3A_2, %add3A_527 : i32
    %dma_start3A_529 = arith.constant 128 : i32
    %dma_start3A_530 = arith.constant 0 : i32
    %dma_start3A_531 = tpu.memref_slice %arg10[%dma_start3A_529, %dma_start3A_530] : memref<512x16xf32, #tpu.memory_space<vmem>> -> memref<128x16xf32, #tpu.memory_space<vmem>>
    %dma_start3A_532 = arith.constant 0 : i32
    %dma_start3A_533 = tpu.memref_slice %arg4[%add3A_528, %dma_start3A_532] : memref<16384x16xf32, #tpu.memory_space<hbm>> -> memref<128x16xf32, #tpu.memory_space<hbm>>
    %dma_start3A_534 = arith.constant 0 : i32
    %dma_start3A_535 = tpu.memref_slice %arg4[%add3A_528, %dma_start3A_534] : memref<16384x16xf32, #tpu.memory_space<hbm>> -> memref<128x16xf32, #tpu.memory_space<hbm>>
    %dma_start3A_536 = arith.constant 128 : i32
    %dma_start3A_537 = arith.constant 0 : i32
    %dma_start3A_538 = tpu.memref_slice %arg10[%dma_start3A_536, %dma_start3A_537] : memref<512x16xf32, #tpu.memory_space<vmem>> -> memref<128x16xf32, #tpu.memory_space<vmem>>
    tpu.enqueue_dma source(%dma_start3A_538 : memref<128x16xf32, #tpu.memory_space<vmem>>) target(%dma_start3A_535 : memref<128x16xf32, #tpu.memory_space<hbm>>) target_semaphore(%arg12 : memref<!tpu.dma_semaphore, #tpu.memory_space<semaphore_mem>>)
    %dma_wait3A_539 = arith.constant 256 : i32
    %dma_wait3A_540 = arith.constant 0 : i32
    %dma_wait3A_541 = tpu.memref_slice %arg10[%dma_wait3A_539, %dma_wait3A_540] : memref<512x16xf32, #tpu.memory_space<vmem>> -> memref<128x16xf32, #tpu.memory_space<vmem>>
    %dma_wait3A_542 = arith.constant 0 : i32
    %dma_wait3A_543 = arith.constant 0 : i32
    %dma_wait3A_544 = tpu.memref_slice %arg2[%dma_wait3A_542, %dma_wait3A_543] : memref<131072x16xf32, #tpu.memory_space<hbm>> -> memref<131072x16xf32, #tpu.memory_space<hbm>>
    tpu.wait_indirect_dma semaphore(%arg11 : memref<!tpu.dma_semaphore, #tpu.memory_space<semaphore_mem>>) src(%dma_wait3A_544 : memref<131072x16xf32, #tpu.memory_space<hbm>>) dst(%dma_wait3A_541 : memref<128x16xf32, #tpu.memory_space<vmem>>)
    %add3A_545 = arith.constant 256 : i32
    %add3A_546 = arith.addi %mul3A_2, %add3A_545 : i32
    %dma_start3A_547 = arith.constant 256 : i32
    %dma_start3A_548 = arith.constant 0 : i32
    %dma_start3A_549 = tpu.memref_slice %arg10[%dma_start3A_547, %dma_start3A_548] : memref<512x16xf32, #tpu.memory_space<vmem>> -> memref<128x16xf32, #tpu.memory_space<vmem>>
    %dma_start3A_550 = arith.constant 0 : i32
    %dma_start3A_551 = tpu.memref_slice %arg4[%add3A_546, %dma_start3A_550] : memref<16384x16xf32, #tpu.memory_space<hbm>> -> memref<128x16xf32, #tpu.memory_space<hbm>>
    %dma_start3A_552 = arith.constant 0 : i32
    %dma_start3A_553 = tpu.memref_slice %arg4[%add3A_546, %dma_start3A_552] : memref<16384x16xf32, #tpu.memory_space<hbm>> -> memref<128x16xf32, #tpu.memory_space<hbm>>
    %dma_start3A_554 = arith.constant 256 : i32
    %dma_start3A_555 = arith.constant 0 : i32
    %dma_start3A_556 = tpu.memref_slice %arg10[%dma_start3A_554, %dma_start3A_555] : memref<512x16xf32, #tpu.memory_space<vmem>> -> memref<128x16xf32, #tpu.memory_space<vmem>>
    tpu.enqueue_dma source(%dma_start3A_556 : memref<128x16xf32, #tpu.memory_space<vmem>>) target(%dma_start3A_553 : memref<128x16xf32, #tpu.memory_space<hbm>>) target_semaphore(%arg12 : memref<!tpu.dma_semaphore, #tpu.memory_space<semaphore_mem>>)
    %dma_wait3A_557 = arith.constant 384 : i32
    %dma_wait3A_558 = arith.constant 0 : i32
    %dma_wait3A_559 = tpu.memref_slice %arg10[%dma_wait3A_557, %dma_wait3A_558] : memref<512x16xf32, #tpu.memory_space<vmem>> -> memref<128x16xf32, #tpu.memory_space<vmem>>
    %dma_wait3A_560 = arith.constant 0 : i32
    %dma_wait3A_561 = arith.constant 0 : i32
    %dma_wait3A_562 = tpu.memref_slice %arg2[%dma_wait3A_560, %dma_wait3A_561] : memref<131072x16xf32, #tpu.memory_space<hbm>> -> memref<131072x16xf32, #tpu.memory_space<hbm>>
    tpu.wait_indirect_dma semaphore(%arg11 : memref<!tpu.dma_semaphore, #tpu.memory_space<semaphore_mem>>) src(%dma_wait3A_562 : memref<131072x16xf32, #tpu.memory_space<hbm>>) dst(%dma_wait3A_559 : memref<128x16xf32, #tpu.memory_space<vmem>>)
    %add3A_563 = arith.constant 384 : i32
    %add3A_564 = arith.addi %mul3A_2, %add3A_563 : i32
    %dma_start3A_565 = arith.constant 384 : i32
    %dma_start3A_566 = arith.constant 0 : i32
    %dma_start3A_567 = tpu.memref_slice %arg10[%dma_start3A_565, %dma_start3A_566] : memref<512x16xf32, #tpu.memory_space<vmem>> -> memref<128x16xf32, #tpu.memory_space<vmem>>
    %dma_start3A_568 = arith.constant 0 : i32
    %dma_start3A_569 = tpu.memref_slice %arg4[%add3A_564, %dma_start3A_568] : memref<16384x16xf32, #tpu.memory_space<hbm>> -> memref<128x16xf32, #tpu.memory_space<hbm>>
    %dma_start3A_570 = arith.constant 0 : i32
    %dma_start3A_571 = tpu.memref_slice %arg4[%add3A_564, %dma_start3A_570] : memref<16384x16xf32, #tpu.memory_space<hbm>> -> memref<128x16xf32, #tpu.memory_space<hbm>>
    %dma_start3A_572 = arith.constant 384 : i32
    %dma_start3A_573 = arith.constant 0 : i32
    %dma_start3A_574 = tpu.memref_slice %arg10[%dma_start3A_572, %dma_start3A_573] : memref<512x16xf32, #tpu.memory_space<vmem>> -> memref<128x16xf32, #tpu.memory_space<vmem>>
    tpu.enqueue_dma source(%dma_start3A_574 : memref<128x16xf32, #tpu.memory_space<vmem>>) target(%dma_start3A_571 : memref<128x16xf32, #tpu.memory_space<hbm>>) target_semaphore(%arg12 : memref<!tpu.dma_semaphore, #tpu.memory_space<semaphore_mem>>)
    %dma_wait3A_575 = arith.constant 0 : i32
    %dma_wait3A_576 = arith.constant 0 : i32
    %dma_wait3A_577 = tpu.memref_slice %arg10[%dma_wait3A_575, %dma_wait3A_576] : memref<512x16xf32, #tpu.memory_space<vmem>> -> memref<128x16xf32, #tpu.memory_space<vmem>>
    %dma_wait3A_578 = arith.constant 0 : i32
    %dma_wait3A_579 = tpu.memref_slice %arg4[%add3A_510, %dma_wait3A_578] : memref<16384x16xf32, #tpu.memory_space<hbm>> -> memref<128x16xf32, #tpu.memory_space<hbm>>
    %dma_wait3A_580 = arith.constant 0 : i32
    %dma_wait3A_581 = tpu.memref_slice %arg4[%add3A_510, %dma_wait3A_580] : memref<16384x16xf32, #tpu.memory_space<hbm>> -> memref<128x16xf32, #tpu.memory_space<hbm>>
    %dma_wait3A_582 = arith.constant 0 : i32
    %dma_wait3A_583 = arith.constant 0 : i32
    %dma_wait3A_584 = tpu.memref_slice %arg10[%dma_wait3A_582, %dma_wait3A_583] : memref<512x16xf32, #tpu.memory_space<vmem>> -> memref<128x16xf32, #tpu.memory_space<vmem>>
    tpu.wait_dma2 semaphore(%arg12 : memref<!tpu.dma_semaphore, #tpu.memory_space<semaphore_mem>>) src(%dma_wait3A_584 : memref<128x16xf32, #tpu.memory_space<vmem>>) dst(%dma_wait3A_581 : memref<128x16xf32, #tpu.memory_space<hbm>>)
    %dma_wait3A_585 = arith.constant 128 : i32
    %dma_wait3A_586 = arith.constant 0 : i32
    %dma_wait3A_587 = tpu.memref_slice %arg10[%dma_wait3A_585, %dma_wait3A_586] : memref<512x16xf32, #tpu.memory_space<vmem>> -> memref<128x16xf32, #tpu.memory_space<vmem>>
    %dma_wait3A_588 = arith.constant 0 : i32
    %dma_wait3A_589 = tpu.memref_slice %arg4[%add3A_528, %dma_wait3A_588] : memref<16384x16xf32, #tpu.memory_space<hbm>> -> memref<128x16xf32, #tpu.memory_space<hbm>>
    %dma_wait3A_590 = arith.constant 0 : i32
    %dma_wait3A_591 = tpu.memref_slice %arg4[%add3A_528, %dma_wait3A_590] : memref<16384x16xf32, #tpu.memory_space<hbm>> -> memref<128x16xf32, #tpu.memory_space<hbm>>
    %dma_wait3A_592 = arith.constant 128 : i32
    %dma_wait3A_593 = arith.constant 0 : i32
    %dma_wait3A_594 = tpu.memref_slice %arg10[%dma_wait3A_592, %dma_wait3A_593] : memref<512x16xf32, #tpu.memory_space<vmem>> -> memref<128x16xf32, #tpu.memory_space<vmem>>
    tpu.wait_dma2 semaphore(%arg12 : memref<!tpu.dma_semaphore, #tpu.memory_space<semaphore_mem>>) src(%dma_wait3A_594 : memref<128x16xf32, #tpu.memory_space<vmem>>) dst(%dma_wait3A_591 : memref<128x16xf32, #tpu.memory_space<hbm>>)
    %dma_wait3A_595 = arith.constant 256 : i32
    %dma_wait3A_596 = arith.constant 0 : i32
    %dma_wait3A_597 = tpu.memref_slice %arg10[%dma_wait3A_595, %dma_wait3A_596] : memref<512x16xf32, #tpu.memory_space<vmem>> -> memref<128x16xf32, #tpu.memory_space<vmem>>
    %dma_wait3A_598 = arith.constant 0 : i32
    %dma_wait3A_599 = tpu.memref_slice %arg4[%add3A_546, %dma_wait3A_598] : memref<16384x16xf32, #tpu.memory_space<hbm>> -> memref<128x16xf32, #tpu.memory_space<hbm>>
    %dma_wait3A_600 = arith.constant 0 : i32
    %dma_wait3A_601 = tpu.memref_slice %arg4[%add3A_546, %dma_wait3A_600] : memref<16384x16xf32, #tpu.memory_space<hbm>> -> memref<128x16xf32, #tpu.memory_space<hbm>>
    %dma_wait3A_602 = arith.constant 256 : i32
    %dma_wait3A_603 = arith.constant 0 : i32
    %dma_wait3A_604 = tpu.memref_slice %arg10[%dma_wait3A_602, %dma_wait3A_603] : memref<512x16xf32, #tpu.memory_space<vmem>> -> memref<128x16xf32, #tpu.memory_space<vmem>>
    tpu.wait_dma2 semaphore(%arg12 : memref<!tpu.dma_semaphore, #tpu.memory_space<semaphore_mem>>) src(%dma_wait3A_604 : memref<128x16xf32, #tpu.memory_space<vmem>>) dst(%dma_wait3A_601 : memref<128x16xf32, #tpu.memory_space<hbm>>)
    %dma_wait3A_605 = arith.constant 384 : i32
    %dma_wait3A_606 = arith.constant 0 : i32
    %dma_wait3A_607 = tpu.memref_slice %arg10[%dma_wait3A_605, %dma_wait3A_606] : memref<512x16xf32, #tpu.memory_space<vmem>> -> memref<128x16xf32, #tpu.memory_space<vmem>>
    %dma_wait3A_608 = arith.constant 0 : i32
    %dma_wait3A_609 = tpu.memref_slice %arg4[%add3A_564, %dma_wait3A_608] : memref<16384x16xf32, #tpu.memory_space<hbm>> -> memref<128x16xf32, #tpu.memory_space<hbm>>
    %dma_wait3A_610 = arith.constant 0 : i32
    %dma_wait3A_611 = tpu.memref_slice %arg4[%add3A_564, %dma_wait3A_610] : memref<16384x16xf32, #tpu.memory_space<hbm>> -> memref<128x16xf32, #tpu.memory_space<hbm>>
    %dma_wait3A_612 = arith.constant 384 : i32
    %dma_wait3A_613 = arith.constant 0 : i32
    %dma_wait3A_614 = tpu.memref_slice %arg10[%dma_wait3A_612, %dma_wait3A_613] : memref<512x16xf32, #tpu.memory_space<vmem>> -> memref<128x16xf32, #tpu.memory_space<vmem>>
    tpu.wait_dma2 semaphore(%arg12 : memref<!tpu.dma_semaphore, #tpu.memory_space<semaphore_mem>>) src(%dma_wait3A_614 : memref<128x16xf32, #tpu.memory_space<vmem>>) dst(%dma_wait3A_611 : memref<128x16xf32, #tpu.memory_space<hbm>>)
    return
  }
}

module attributes {stable_mosaic.version = 14 : i64} {
  func.func @_heads_matmul_body(%arg0: i32, %arg1: memref<2048x768xf32, #tpu.memory_space<vmem>>, %arg2: memref<768x128xf32, #tpu.memory_space<vmem>>, %arg3: memref<1x128xf32, #tpu.memory_space<vmem>>, %arg4: memref<2048x128xf32, #tpu.memory_space<vmem>>) attributes {dimension_semantics = [#tpu.dimension_semantics<parallel>], iteration_bounds = array<i64: 8>, scalar_prefetch = 0 : i64, scratch_operands = 0 : i64, tpu.core_type = #tpu.core_type<tc>, window_params = [{transform_indices = @transform_0, window_bounds = array<i64: 2048, 768>}, {pipeline_mode = #tpu.pipeline_mode<synchronous>, transform_indices = @transform_1, window_bounds = array<i64: 768, 128>}, {pipeline_mode = #tpu.pipeline_mode<synchronous>, transform_indices = @transform_2, window_bounds = array<i64: 1, 128>}, {transform_indices = @transform_3, window_bounds = array<i64: 2048, 128>}]} {
    %get3A = arith.constant 0 : index
    %get3A_0 = arith.constant 0 : index
    %get3A_1 = vector.load %arg1[%get3A, %get3A_0] : memref<2048x768xf32, #tpu.memory_space<vmem>>, vector<2048x768xf32>
    %get3A_2 = arith.constant 0 : index
    %get3A_3 = arith.constant 0 : index
    %get3A_4 = vector.load %arg2[%get3A_2, %get3A_3] : memref<768x128xf32, #tpu.memory_space<vmem>>, vector<768x128xf32>
    %dot_general3A = arith.constant dense<0.000000e+00> : vector<2048x128xf32>
    %dot_general3A_5 = tpu.matmul %get3A_1, %get3A_4, %dot_general3A {dimension_numbers = #tpu.dot_dimension_numbers<[1], [0], [0], [1], [0, 0, 1, 1], [], []>, transpose_lhs_hint = false} : vector<2048x768xf32>, vector<768x128xf32>, vector<2048x128xf32> -> vector<2048x128xf32>
    %get3A_6 = arith.constant 0 : index
    %get3A_7 = arith.constant 0 : index
    %get3A_8 = vector.load %arg3[%get3A_6, %get3A_7] : memref<1x128xf32, #tpu.memory_space<vmem>>, vector<1x128xf32>
    %add3A = vector.broadcast %get3A_8 : vector<1x128xf32> to vector<2048x128xf32>
    %add3A_9 = arith.addf %dot_general3A_5, %add3A : vector<2048x128xf32>
    %swap3A = arith.constant 0 : index
    %swap3A_10 = arith.constant 0 : index
    %swap3A_11 = vector.load %arg4[%swap3A, %swap3A_10] : memref<2048x128xf32, #tpu.memory_space<vmem>>, vector<2048x128xf32>
    tpu.vector_store %arg4[%swap3A, %swap3A_10], %add3A_9 {strides = array<i32>} : memref<2048x128xf32, #tpu.memory_space<vmem>>, vector<2048x128xf32>,
    return
  }
  func.func @transform_0(%arg0: i32) -> (i32, i32) {
    %c0_i32 = arith.constant 0 : i32
    %c0_i32_0 = arith.constant 0 : i32
    return %arg0, %c0_i32 : i32, i32
  }
  func.func @transform_1(%arg0: i32) -> (i32, i32) {
    %c0_i32 = arith.constant 0 : i32
    %c0_i32_0 = arith.constant 0 : i32
    %c0_i32_1 = arith.constant 0 : i32
    return %c0_i32, %c0_i32_0 : i32, i32
  }
  func.func @transform_2(%arg0: i32) -> (i32, i32) {
    %c0_i32 = arith.constant 0 : i32
    %c0_i32_0 = arith.constant 0 : i32
    %c0_i32_1 = arith.constant 0 : i32
    return %c0_i32, %c0_i32_0 : i32, i32
  }
  func.func @transform_3(%arg0: i32) -> (i32, i32) {
    %c0_i32 = arith.constant 0 : i32
    %c0_i32_0 = arith.constant 0 : i32
    return %arg0, %c0_i32 : i32, i32
  }
}

</mosaic_0001>

<sc_bundles>
// kernel: kernel.4.cloned.1.call-start
scs
__scs_entry_jumppad:
0x0: {  	(pc) =	sbr.rel $0x88, $3  }
0x1: {  	(tag) =	ssettag $0x0;
	lr =	simm.s32 $0x1  }
0x2: {  	[smem:$0x3F9D] =	sst lr;
	_ =	strace $0xD0000000  }
0x3: {  	_ = 	snop  }
0x4: {  	_ = 	snop  }
0x5: {  	_ = 	snop  }
0x6: {  	_ = 	snop  }
0x7: {  	_ = 	snop  }
__scs_overlays_trampoline_lowered:
0x8: {  	[smem:$0x3FAC] =	sst s0  }
0x9: {  	[smem:$0x3FAD] =	sst s1  }
0xa: {  	[smem:$0x3FAE] =	sst s2  }
0xb: {  	[smem:$0x3FAF] =	sst s3  }
0xc: {  	[smem:$0x3FB0] =	sst s4  }
0xd: {  	[smem:$0x3FB1] =	sst s5  }
0xe: {  	[smem:$0x3FB2] =	sst s6  }
0xf: {  	[smem:$0x3FB3] =	sst s7  }
0x10: {  	[smem:$0x3FB4] =	sst s8  }
0x11: {  	[smem:$0x3FB5] =	sst s9;
	s0 =	simm.s32 @!p0 $0x0  }
0x12: {  	s1 =	sld [smem:$0x3F9B];
	s0 =	simm.s32 @p0 $0x1  }
0x13: {  	[smem:$0x3FB6] =	sst s0;
	s0 =	simm.s32 @!p1 $0x0  }
0x14: {  	s2 =	sld [smem:$0x3F9A];
	s0 =	simm.s32 @p1 $0x1  }
0x15: {  	[smem:$0x3FB7] =	sst s0;
	s0 =	simm.s32 @!p2 $0x0  }
0x16: {  	s3 =	sld [smem:$0x3FDB];
	s0 =	simm.s32 @p2 $0x1  }
0x17: {  	s4 =	simm.s32 $0x1BF5;
	[smem:$0x3FB9] =	sst s0  }
0x18: {  	s0 =	sld [smem:$0x3F9C];
	_ =	swait.ge [sflag:s4], $0x0  }
0x19: {  	s7 =	sld [smem:$0x3F9D]  }
0x1a: {  	s8 =	sadd.s32 $0xFFFFE003, lr  }
0x1b: {  	s9 =	sadd.s32 $0xFFFFFEF7, lr;
	s5 =	simm.s32 $0xFFFFFFFF;
	p2 =	slt.u32 s8, $0xFFFFF086  }
0x1c: {  	p1 =	slt.u32 s9, $0xF7A;
	s5 =	simm.s32 @!p2 $0x0  }
0x1d: {  	s5 =	simm.s32 @p1 $0x1;
	p0 =	seq.s32 s7, s2  }
0x1e: {  	s7 =	smul.u32 @!p0 $0xF7A, s2;
	p2 =	seq.s32 @!p0 s5, $0x0  }
0x1f: {  	s9 =	smul.u32 $0xF7A, s1;
	s8 =	simm.s32 @!p0 $0x1BF5;
	p2 =	por !p2, p0  }
0x20: {  	[sflag:s8] =	ssyncset.s32 @!p0 $0xFFFFF086;
	s6 =	sadd.s32 @!p0 s3, s7;
	s7 =	simm.s32 @!p0 $0x108  }
0x21: {  	s3 =	sadd.s32 s3, s9;
	s6 =	sadd.s32 @!p0 $0x88, s6;
	s7 =	simm.s32 @p2 $0x1082  }
0x22: {  	[simem:s7], [sflag:s8] =	dma.local @!p0 [hbm:s6], $0xF7A  }
0x23: {  	s9 =	sor.u32 $0xD0000000, s2;
	s6 =	simm.s32 $0x108;
	_ =	swait.ge @!p0 [sflag:s8], $0x0  }
0x24: {  	s3 =	sadd.s32 $0x88, s3;
	s6 =	simm.s32 @!p1 $0x1082;
	[sflag:s4] =	ssyncset.s32 $0xFFFFF086  }
0x25: {  	[simem:s6], [sflag:s4] =	dma.local [hbm:s3], $0xF7A  }
0x26: {  	[smem:$0x3F9D] =	sst s1;
	(tag) =	ssettag s2;
	_ =	strace s9  }
0x27: {  	s1 =	sld [smem:$0x3FAD]  }
0x28: {  	s2 =	sld [smem:$0x3FAE]  }
0x29: {  	s4 =	sld [smem:$0x3FB0]  }
0x2a: {  	p0 =	seq.s32 s5, $0x0;
	s5 =	sld [smem:$0x3FB1]  }
0x2b: {  	s6 =	sld [smem:$0x3FB2]  }
0x2c: {  	s7 =	sld [smem:$0x3FB3]  }
0x2d: {  	s3 =	simm.s32 $0x108;
	s8 =	sld [smem:$0x3FB4]  }
0x2e: {  	s3 =	simm.s32 @!p0 $0x1082;
	s9 =	sld [smem:$0x3FB5]  }
0x2f: {  	lr =	sadd.s32 s0, s3;
	s0 =	sld [smem:$0x3FAC]  }
0x30: {  	s3 =	sld [smem:$0x3FAF]  }
0x31: {  	[smem:$0x3FB8] =	sst s10  }
0x32: {  	s10 =	sld [smem:$0x3FB6];
	_ =	sdelay $0x3  }
0x33: {  	p0 =	seq.s32 s10, $0x1;
	s10 =	sld [smem:$0x3FB8];
	_ =	sdelay $0x3  }
0x34: {  	[smem:$0x3FB8] =	sst s10  }
0x35: {  	s10 =	sld [smem:$0x3FB7];
	_ =	sdelay $0x3  }
0x36: {  	p1 =	seq.s32 s10, $0x1;
	s10 =	sld [smem:$0x3FB8];
	_ =	sdelay $0x3  }
0x37: {  	[smem:$0x3FB8] =	sst s10  }
0x38: {  	s10 =	sld [smem:$0x3FB9]  }
0x39: {  	_ = 	snop;
	(pc) =	sbr.ind lr, $3  }
0x3a: {  	_ = 	snop  }
0x3b: {  	_ = 	snop  }
0x3c: {  	p2 =	seq.s32 s10, $0x1;
	s10 =	sld [smem:$0x3FB8]  }
0x3d: {  	_ =	shalt  }
0x3e: {  	_ =	shalt  }
0x3f: {  	_ =	shalt  }
0x40: {  	_ =	shalt  }
0x41: {  	_ =	shalt  }
0x42: {  	_ =	shalt  }
0x43: {  	_ =	shalt  }
0x44: {  	_ =	shalt  }
0x45: {  	_ =	shalt  }
0x46: {  	_ =	shalt  }
0x47: {  	_ =	shalt  }
0x48: {  	_ =	shalt  }
0x49: {  	_ =	shalt  }
0x4a: {  	_ =	shalt  }
0x4b: {  	_ =	shalt  }
0x4c: {  	_ =	shalt  }
0x4d: {  	_ =	shalt  }
0x4e: {  	_ =	shalt  }
0x4f: {  	_ =	shalt  }
0x50: {  	_ =	shalt  }
0x51: {  	_ =	shalt  }
0x52: {  	_ =	shalt  }
0x53: {  	_ =	shalt  }
0x54: {  	_ =	shalt  }
0x55: {  	_ =	shalt  }
0x56: {  	_ =	shalt  }
0x57: {  	_ =	shalt  }
0x58: {  	_ =	shalt  }
0x59: {  	_ =	shalt  }
0x5a: {  	_ =	shalt  }
0x5b: {  	_ =	shalt  }
0x5c: {  	_ =	shalt  }
0x5d: {  	_ =	shalt  }
0x5e: {  	_ =	shalt  }
0x5f: {  	_ =	shalt  }
0x60: {  	_ =	shalt  }
0x61: {  	_ =	shalt  }
0x62: {  	_ =	shalt  }
0x63: {  	_ =	shalt  }
0x64: {  	_ =	shalt  }
0x65: {  	_ =	shalt  }
0x66: {  	_ =	shalt  }
0x67: {  	_ =	shalt  }
0x68: {  	_ =	shalt  }
0x69: {  	_ =	shalt  }
0x6a: {  	_ =	shalt  }
0x6b: {  	_ =	shalt  }
0x6c: {  	_ =	shalt  }
0x6d: {  	_ =	shalt  }
0x6e: {  	_ =	shalt  }
0x6f: {  	_ =	shalt  }
0x70: {  	_ =	shalt  }
0x71: {  	_ =	shalt  }
0x72: {  	_ =	shalt  }
0x73: {  	_ =	shalt  }
0x74: {  	_ =	shalt  }
0x75: {  	_ =	shalt  }
0x76: {  	_ =	shalt  }
0x77: {  	_ =	shalt  }
0x78: {  	_ =	shalt  }
0x79: {  	_ =	shalt  }
0x7a: {  	_ =	shalt  }
0x7b: {  	_ =	shalt  }
0x7c: {  	_ =	shalt  }
0x7d: {  	_ =	shalt  }
0x7e: {  	_ =	shalt  }
0x7f: {  	_ =	shalt  }
0x80: {  	_ =	shalt  }
0x81: {  	_ =	shalt  }
0x82: {  	_ =	shalt  }
0x83: {  	_ =	shalt  }
0x84: {  	_ =	shalt  }
0x85: {  	_ =	shalt  }
0x86: {  	_ =	shalt  }
0x87: {  	_ =	shalt  }
.Lfunc_end0:
.L_simem_size_0:
called_computation_lowered:
.L_overlay_start_0:
0x88: {  	s2 =	sld [smem:$0x3FD9]  }
0x89: {  	s3 =	sld [smem:$0x3FFE];
	_ =	sdelay $0x1  }
0x8a: {  	s1 =	srdreg.scid  }
0x8b: {  	s0 =	sand.u32 $0x1, s1  }
0x8c: {  	s17 =	sshll.u32 s0, $0xA;
	s2 =	sadd.s32 s3, s2  }
0x8d: {  	s2 =	sadd.s32 s2, s17  }
0x8e: {  	[smem:$0x3FC4] =	sst s2  }
0x8f: {  	_ = 	snop  }
0x90: {  	s2 =	sld [smem:$0x3FC8]  }
0x91: {  	s18 =	sld [smem:$0x3FD0];
	(tm) =	ssettm $0x1  }
0x92: {  	s4 =	sld [smem:$0x3FFB];
	_ =	sdelay $0x3  }
0x93: {  	_ =	strace s4  }
0x94: {  	s4 =	sld [smem:$0x3FFC];
	_ =	sdelay $0x3  }
0x95: {  	_ =	strace s4  }
0x96: {  	s4 =	sld [smem:$0x3FFD];
	_ =	sdelay $0x3  }
0x97: {  	_ =	strace s4  }
0x98: {  	_ =	strace $0x8FFFFFFF  }
0x99: {  	s19 =	sld [smem:$0x3FDB];
	_ =	sdelay $0x1  }
0x9a: {  	s5 =	simm.s32 $_scs_section_size  }
0x9b: {  	s6 =	simm.s32 $_size__tile_overlayer_lowered;
	s7 =	simm.s32 $_tile_overlayer_lowered  }
0x9c: {  	s22 =	simm.s32 $0x1BFF;
	s21 =	sshll.u32 s7, $0x1;
	s4 =	sadd.s32 s5, s19  }
0x9d: {  	s8 =	simm.s32 $0x0;
	s20 =	sshll.u32 s6, $0x1;
	s6 =	sadd.s32 s21, s4  }
0x9e: {  	[timem:s8], [sflag:s22] =	dma.local [hbm:s6], s20  }
0x9f: {  	_ =	swait.ge [sflag:s22], s20  }
0xa0: {  	s5 =	ssub.s32 $0x0, s20;
	[sflag:s22] =	ssyncset.done $0x0  }
0xa1: {  	[sflag:s22] =	ssyncadd.s32 s5;
	_ =	sdelay $0x1  }
0xa2: {  	s23 =	simm.s32 $0x1B8B  }
0xa3: {  	_ =	swait.ge [sflag:s23], $0x1  }
0xa4: {  	[sflag:s23] =	ssyncset.done $0x0  }
0xa5: {  	s25 =	simm.s32 $0x1B8E;
	s24 =	sld [smem:$0x3FFE];
	[sflag:s23] =	ssyncadd.s32 $0xFFFFFFFF  }
0xa6: {  	s26 =	simm.s32 $execute0_lowered;
	[smem:$0x3FD2] =	sst s25  }
0xa7: {  	s6 =	sshll.u32 s26, $0x1;
	_ =	strace $0x80000046;
	[dreg:$0x1] =	wrdreg $0xFFFFFFFF  }
0xa8: {  	s28 =	simm.s32 $_size_execute0_lowered;
	s4 =	sadd.s32 s4, s6;
	[dreg:$0x0] =	wrdreg $0x0  }
0xa9: {  	s6 =	sshll.u32 s28, $0x1;
	[dreg:$0x2] =	wrdreg s4  }
0xaa: {  	[dreg:$0x3] =	wrdreg s6  }
0xab: {  	[dreg:$0x4] =	wrdreg $0xC0  }
0xac: {  	_ =	task [dreg:s8], $0x5FFFF  }
0xad: {  	[dreg:$0x1] =	wrdreg $0xFFFFFFFF  }
0xae: {  	[dreg:$0x0] =	wrdreg $0x60  }
0xaf: {  	[dreg:$0x2] =	wrdreg s24  }
0xb0: {  	[dreg:$0x3] =	wrdreg s2  }
0xb1: {  	[dreg:$0x4] =	wrdreg s18  }
0xb2: {  	[dreg:$0x5] =	wrdreg $0x9  }
0xb3: {  	_ =	task.clear_ibuf [dreg:s8], $0x6FFFF;
	_ =	strace $0x90000046  }
0xb4: {  	s29 =	simm.s32 $0x9;
	_ =	strace $0x80000048  }
0xb5: {  	_ =	swait.ge [sflag:s29], $0x1  }
0xb6: {  	[sflag:s29] =	ssyncadd.s32 $0xFFFFFFFF  }
0xb7: {  	_ =	strace $0x90000048  }
0xb8: {  	_ =	sfence  }
0xb9: {  	s30 =	sld [smem:$0x0];
	_ =	sdelay $0x2  }
0xba: {  	s31 =	sshll.u32 s1, $0xD;
	s1 =	sshrl.u32 s1, $0x2  }
0xbb: {  	s3 =	sand.u32 $0x4000, s31;
	s1 =	sadd.s32 s1, s30  }
0xbc: {  	s0 =	sor.u32 s3, s0;
	s1 =	sshll.u32 s1, $0x11  }
0xbd: {  	s0 =	sor.u32 s1, s0  }
0xbe: {  	s0 =	sadd.s32 $0x8F2B, s0  }
0xbf: {  	[sflag:s0] =	ssyncadd.remote.s32 $0x1  }
0xc0: {  	_ =	sfence.sel $0xFFFF  }
0xc1: {  	[dreg:$0x0] =	wrdreg $0xFFFFFFFF;
	(pc) =	sbr.abs _section_cstart, $3  }
0xc2: {  	[dreg:$0x1] =	wrdreg $0xFFFFFFFF  }
0xc3: {  	_ =	task.clear_ibuf [dreg:s8], $0x2FFFF;
	_ =	strace $0x9FFFFFFF  }
0xc4: {  	(tm) =	ssettm $0x7FFFFFFF  }
0xc5: {  	_ =	shalt  }
tec
execute0_lowered:
.L_overlay_start_1:
0x0: {  	(tag) =	ssettag $0x1  }
0x1: {  	s1 =	srdreg.scid;
	s5 =	rddreg [dreg:$0x0]  }
0x2: {  	s0 =	stileid.u32;
	s3 =	rddreg [dreg:$0x1];
	s8 =	sand.u32 $0x1, s1  }
0x3: {  	s7 =	rddreg [dreg:$0x2];
	s21 =	sshll.u32 s0, $0xA;
	s2 =	sshll.u32 s8, $0x9  }
0x4: {  	s1 =	rddreg [dreg:$0x3];
	s6 =	sor.u32 s2, s21;
	s2 =	simm.s32 $0x0  }
0x5: {  	s4 =	sor.u32 $0x10, s6;
	[smem:$0x7FF] =	sst s2;
	s9 =	sshrl.u32 s6, $0x3  }
0x6: {  	s22 =	sor.u32 $0x30, s6;
	s23 =	sor.u32 $0x20, s6;
	s24 =	sor.u32 $0x40, s6  }
0x7: {  	v0 =	vlaneseq.u32;
	s10 =	sor.u32 $0x50, s6;
	s25 =	sor.u32 $0x60, s6;
	s26 =	sor.u32 $0x130, s6  }
0x8: {  	v31 =	vmul.u32 $0x8, v0;
	s28 =	sor.u32 $0xC0, s6;
	s12 =	sor.u32 $0xD0, s6;
	s29 =	sor.u32 $0xE0, s6  }
0x9: {  	v30 =	vmov s6;
	s30 =	sor.u32 $0x140, s6;
	s31 =	sor.u32 $0x150, s6;
	s13 =	sor.u32 $0x160, s6;
	v0 =	vmov s4;
	v1 =	vmov s22  }
0xa: {  	s14 =	sor.u32 $0x170, s6;
	s15 =	sor.u32 $0x180, s6;
	s16 =	sor.u32 $0x1F0, s6;
	v27 =	vmov s23;
	v2 =	vmov s24;
	v24 =	vmov s10  }
0xb: {  	_ =	strace $0x80000047;
	s3 =	sadd.s32 s3, s9;
	s4 =	simm.s32 $0x3;
	v23 =	vmov s25;
	v3 =	vmov s26;
	v19 =	vmov s28  }
0xc: {  	v18 =	vmov s12;
	v17 =	vmov s29;
	v13 =	vmov s30;
	[tilespmem:s2], [sflag:$0x3] =	stream.linear.gather [hbm4b:s3+s2], $0x200, $0x38;
	[tilespmem:$0x2400] =	vst v63  }
0xd: {  	s17 =	sor.u32 $0x190, s6;
	s18 =	sor.u32 $0x1B0, s6;
	v12 =	vmov s31;
	v11 =	vmov s13;
	v10 =	vmov s14;
	_ =	swait.ge [sflag:s4], $0x200  }
0xe: {  	s19 =	sor.u32 $0x1D0, s6;
	s20 =	sor.u32 $0x1C0, s6;
	v9 =	vmov s15;
	v4 =	vmov s16;
	v14 =	vmov s17;
	[sflag:s4] =	ssyncset.done $0x0  }
0xf: {  	v20 =	vmov s18;
	v25 =	vmov s19;
	v29 =	vmov s20;
	[sflag:s4] =	ssyncadd.s32 $0xFFFFFE00  }
0x10: {  	s11 =	sor.u32 $0xB0, s6;
	s9 =	sor.u32 $0x80, s6;
	v61 =	vshll.u32 v30, $0x3;
	v0 =	vshll.u32 v0, $0x3;
	v1 =	vshll.u32 v1, $0x3;
	v6 =	vld [tilespmem:$0x1F0]  }
0x11: {  	s10 =	sor.u32 $0x100, s6;
	s14 =	sor.u32 $0x1E0, s6;
	v26 =	vshll.u32 v2, $0x3;
	v2 =	vmov s11;
	v22 =	vmov s9;
	v7 =	vld [tilespmem:$0x1E0]  }
0x12: {  	v3 =	vshll.u32 v3, $0x3;
	v16 =	vmov s10;
	v5 =	vmov s14;
	v8 =	vld [tilespmem:$0x130]  }
0x13: {  	v4 =	vshll.u32 v4, $0x3;
	v25 =	vshll.u32 v25, $0x3;
	v29 =	vshll.u32 v29, $0x3;
	v54 =	vld [tilespmem:$0x10]  }
0x14: {  	v20 =	vshll.u32 v20, $0x3;
	v5 =	vshll.u32 v5, $0x3;
	v4 =	vor.u32 v31, v4;
	v15 =	vld [tilespmem:$0x1D0]  }
0x15: {  	v14 =	vshll.u32 v14, $0x3;
	v5 =	vor.u32 v31, v5;
	v21 =	vld [tilespmem:$0x1C0];
	v6 =	vadd.s32 v4, v6  }
0x16: {  	s28 =	sor.u32 $0x70, s6;
	v42 =	vshll.u32 v17, $0x3;
	v3 =	vor.u32 v31, v3;
	v28 =	vld [tilespmem:$0x1B0];
	v7 =	vadd.s32 v5, v7;
	[tilespmem:$0x3F0] =	vst v6  }
0x17: {  	v59 =	vmov s28;
	v0 =	vor.u32 v31, v0;
	v32 =	vld [tilespmem:$0x190];
	v8 =	vadd.s32 v3, v8;
	[tilespmem:$0x3E0] =	vst v7  }
0x18: {  	v2 =	vshll.u32 v2, $0x3;
	v60 =	vadd.s32 v0, v54;
	v6 =	vor.u32 v31, v25;
	v25 =	vld [tilespmem:$0x180];
	[tilespmem:$0x330] =	vst v8  }
0x19: {  	v41 =	vshll.u32 v16, $0x3;
	v7 =	vor.u32 v31, v29;
	v29 =	vld [tilespmem:$0x170];
	[tilespmem:$0x210] =	vst v60;
	v15 =	vadd.s32 v6, v15  }
0x1a: {  	v2 =	vor.u32 v31, v2;
	v8 =	vor.u32 v31, v20;
	v20 =	vld [tilespmem:$0x160];
	v21 =	vadd.s32 v7, v21;
	[tilespmem:$0x3D0] =	vst v15  }
0x1b: {  	v33 =	vld [tilespmem:$0x150];
	v15 =	vshll.u32 v9, $0x3;
	v9 =	vor.u32 v31, v14;
	v14 =	vadd.s32 v8, v28;
	[tilespmem:$0x3C0] =	vst v21  }
0x1c: {  	v21 =	vshll.u32 v10, $0x3;
	v10 =	vor.u32 v31, v15;
	v15 =	vld [tilespmem:$0x140];
	v28 =	vadd.s32 v9, v32;
	[tilespmem:$0x3B0] =	vst v14  }
0x1d: {  	v14 =	vshll.u32 v11, $0x3;
	v11 =	vor.u32 v31, v21;
	v21 =	vld [tilespmem:$0xB0];
	[tilespmem:$0x390] =	vst v28;
	v25 =	vadd.s32 v10, v25  }
0x1e: {  	v40 =	vld [tilespmem:$0x120];
	v28 =	vshll.u32 v12, $0x3;
	v12 =	vor.u32 v31, v14;
	v14 =	vadd.s32 v11, v29;
	[tilespmem:$0x380] =	vst v25  }
0x1f: {  	s21 =	sor.u32 $0x120, s6;
	v20 =	vadd.s32 v12, v20;
	v25 =	vshll.u32 v13, $0x3;
	v13 =	vor.u32 v31, v28;
	v28 =	vld [tilespmem:$0x110];
	[tilespmem:$0x370] =	vst v14  }
0x20: {  	s22 =	sor.u32 $0x110, s6;
	v34 =	vld [tilespmem:$0xE0];
	v29 =	vmov s21;
	[tilespmem:$0x360] =	vst v20;
	v14 =	vor.u32 v31, v25;
	v33 =	vadd.s32 v13, v33  }
0x21: {  	v57 =	vld [tilespmem:$0x70];
	v20 =	vmov s22;
	v29 =	vshll.u32 v29, $0x3;
	v35 =	vadd.s32 v14, v15;
	[tilespmem:$0x350] =	vst v33  }
0x22: {  	v25 =	vld [tilespmem:$0x100];
	v20 =	vshll.u32 v20, $0x3;
	v15 =	vor.u32 v31, v29;
	v21 =	vadd.s32 v2, v21;
	[tilespmem:$0x340] =	vst v35  }
0x23: {  	v29 =	vld [tilespmem:$0xD0];
	v16 =	vor.u32 v31, v20;
	[tilespmem:$0x2B0] =	vst v21;
	v20 =	vadd.s32 v15, v40;
	v35 =	vshll.u32 v59, $0x3  }
0x24: {  	s24 =	sor.u32 $0x90, s6;
	v21 =	vld [tilespmem:$0xC0];
	[tilespmem:$0x320] =	vst v20;
	v20 =	vshll.u32 v18, $0x3;
	v18 =	vor.u32 v31, v42;
	v28 =	vadd.s32 v16, v28  }
0x25: {  	v46 =	vmov s24;
	v43 =	vld [tilespmem:$0x30];
	v30 =	vor.u32 v31, v35;
	v34 =	vadd.s32 v18, v34;
	[tilespmem:$0x310] =	vst v28  }
0x26: {  	v49 =	vshll.u32 v23, $0x3;
	v17 =	vor.u32 v31, v41;
	v44 =	vld [tilespmem:$0xA0];
	v62 =	vadd.s32 v30, v57;
	[tilespmem:$0x2E0] =	vst v34  }
0x27: {  	s23 =	sor.u32 $0xA0, s6;
	v45 =	vld [tilespmem:$0x90];
	v25 =	vadd.s32 v17, v25;
	v28 =	vshll.u32 v19, $0x3;
	v19 =	vor.u32 v31, v20;
	[tilespmem:$0x270] =	vst v62  }
0x28: {  	[tilespmem:$0x300] =	vst v25;
	v25 =	vmov s23;
	v20 =	vor.u32 v31, v28;
	v28 =	vld [tilespmem:$0x80];
	v29 =	vadd.s32 v19, v29  }
0x29: {  	v1 =	vor.u32 v31, v1;
	v36 =	vld [tilespmem:$0x60];
	v25 =	vshll.u32 v25, $0x3;
	v37 =	vadd.s32 v20, v21;
	[tilespmem:$0x2D0] =	vst v29  }
0x2a: {  	v47 =	vld [tilespmem:$0x50];
	v29 =	vshll.u32 v46, $0x3;
	v21 =	vor.u32 v31, v25;
	v25 =	vadd.s32 v1, v43;
	[tilespmem:$0x2C0] =	vst v37  }
0x2b: {  	s25 =	sor.u32 $0x1A0, s6;
	v48 =	vshll.u32 v22, $0x3;
	v22 =	vor.u32 v31, v29;
	v29 =	vld [tilespmem:$0x40];
	[tilespmem:$0x230] =	vst v25;
	v25 =	vadd.s32 v21, v44  }
0x2c: {  	v53 =	vmov s25;
	v23 =	vor.u32 v31, v48;
	v51 =	vld [tilespmem:$0x1A0];
	v50 =	vadd.s32 v22, v45;
	[tilespmem:$0x2A0] =	vst v25  }
0x2d: {  	s8 =	ssub.s32 $0x2, s8;
	v52 =	vld [tilespmem:$0x20];
	v25 =	vshll.u32 v24, $0x3;
	v24 =	vor.u32 v31, v49;
	[tilespmem:$0x290] =	vst v50;
	v28 =	vadd.s32 v23, v28  }
0x2e: {  	s5 =	sadd.s32 $0x600, s5;
	s26 =	sor.u32 $0xF0, s6;
	s29 =	sshrl.u32 s8, $0x1;
	v56 =	vshll.u32 v27, $0x3;
	v55 =	vld [tilespmem:$0xF0];
	v25 =	vor.u32 v31, v25;
	v36 =	vadd.s32 v24, v36;
	[tilespmem:$0x280] =	vst v28  }
0x2f: {  	s6 =	sshll.u32 s6, $0x1;
	s31 =	sshll.u32 s15, $0x1;
	s13 =	simm.s32 $0x80;
	v26 =	vor.u32 v31, v26;
	v38 =	vld [tilespmem:$0x0];
	v28 =	vshll.u32 v53, $0x3;
	v33 =	vadd.s32 v25, v47;
	[tilespmem:$0x260] =	vst v36  }
0x30: {  	s17 =	simm.s32 $0x200;
	s18 =	simm.s32 $0x280;
	s15 =	simm.s32 $0xC00;
	v58 =	vmov s26;
	v27 =	vor.u32 v31, v28;
	v29 =	vadd.s32 v26, v29;
	[tilespmem:$0x250] =	vst v33  }
0x31: {  	s19 =	simm.s32 $0x300;
	s20 =	simm.s32 $0x380;
	s12 =	ssub.s32 s8, s29;
	v36 =	vshll.u32 v58, $0x3;
	v28 =	vor.u32 v31, v56;
	[tilespmem:$0x240] =	vst v29;
	v29 =	vadd.s32 v27, v51  }
0x32: {  	s16 =	simm.s32 $0x1;
	s8 =	sadd.s32 s7, s6;
	s21 =	smax.u32 s12, $0x1;
	v32 =	vadd.s32 v28, v52;
	[tilespmem:$0x3A0] =	vst v29;
	v29 =	vor.u32 v31, v36  }
0x33: {  	s30 =	sshll.u32 s9, $0x1;
	s10 =	sshll.u32 s10, $0x1;
	p0 =	sne.s32 s21, $0x1;
	[tilespmem:$0x220] =	vst v32;
	v31 =	vor.u32 v31, v61;
	v34 =	vadd.s32 v29, v55  }
.Ltmp0:
0x34: {  	s14 =	simm.s32 $0x400;
	s11 =	simm.s32 $0x1C00;
	v63 =	vadd.s32 v31, v38;
	[tilespmem:$0x2F0] =	vst v34;
	(pc) =	sbr.rel @!p0 .LBB2_2-.Ltmp0, $4  }
0x35: {  	s9 =	sadd.s32 s7, s30;
	s6 =	sadd.s32 s7, s10;
	s7 =	sadd.s32 s7, s31;
	[tilespmem:$0x200] =	vst v63  }
0x36: {  	[tilespmem:s14], [sflag:$0x1] =	stream.indirect.gather [hbm4b:s5+s13], $0x10, s17, s13, $0xb8;
	[tilespmem:$0x2400] =	vst v63  }
0x37: {  	s10 =	simm.s32 $0x2;
	s12 =	simm.s32 $0x1400;
	s21 =	sadd.s32 $0xFFFFFFFF, s21  }
0x38: {  	[tilespmem:s15], [sflag:$0x1] =	stream.indirect.gather [hbm4b:s5+s13], $0x10, s18, s13, $0xb8;
	[tilespmem:$0x2400] =	vst v63  }
.LBB2_1:
0x39: {  	p0 =	sne.s32 s21, $0x1;
	s21 =	sadd.s32 $0xFFFFFFFF, s21  }
0x3a: {  	[tilespmem:s12], [sflag:$0x1] =	stream.indirect.gather [hbm4b:s5+s13], $0x10, s19, s13, $0xb8;
	[tilespmem:$0x2400] =	vst v63  }
0x3b: {  	_ = 	snop  }
0x3c: {  	[tilespmem:s11], [sflag:$0x1] =	stream.indirect.gather [hbm4b:s5+s13], $0x10, s20, s13, $0xb8;
	[tilespmem:$0x2400] =	vst v63  }
0x3d: {  	_ =	swait.ge [sflag:s16], $0x800  }
0x3e: {  	[sflag:s16] =	ssyncset.done $0x0  }
0x3f: {  	[sflag:s16] =	ssyncadd.s32 $0xFFFFF800  }
0x40: {  	[hbm4b:s8+s2] =	stream.linear.scatter [tilespmem:s14], [sflag:$0x2], $0x800, $0x38;
	[tilespmem:$0x2400] =	vst v63  }
0x41: {  	_ =	swait.ge [sflag:s16], $0x800  }
0x42: {  	[sflag:s16] =	ssyncset.done $0x0  }
0x43: {  	[sflag:s16] =	ssyncadd.s32 $0xFFFFF800  }
0x44: {  	[hbm4b:s9+s2] =	stream.linear.scatter [tilespmem:s15], [sflag:$0x2], $0x800, $0x38;
	[tilespmem:$0x2400] =	vst v63  }
0x45: {  	_ =	swait.ge [sflag:s16], $0x800  }
0x46: {  	[sflag:s16] =	ssyncset.done $0x0  }
0x47: {  	[sflag:s16] =	ssyncadd.s32 $0xFFFFF800  }
0x48: {  	[hbm4b:s6+s2] =	stream.linear.scatter [tilespmem:s12], [sflag:$0x2], $0x800, $0x38;
	[tilespmem:$0x2400] =	vst v63  }
0x49: {  	_ =	swait.ge [sflag:s16], $0x800  }
0x4a: {  	[sflag:s16] =	ssyncset.done $0x0  }
0x4b: {  	[sflag:s16] =	ssyncadd.s32 $0xFFFFF800  }
0x4c: {  	[hbm4b:s7+s2] =	stream.linear.scatter [tilespmem:s11], [sflag:$0x2], $0x800, $0x38;
	[tilespmem:$0x2400] =	vst v63  }
0x4d: {  	_ =	swait.ge [sflag:s10], $0x800  }
0x4e: {  	[sflag:s10] =	ssyncset.done $0x0  }
0x4f: {  	[sflag:s10] =	ssyncadd.s32 $0xFFFFF800  }
0x50: {  	_ =	swait.ge [sflag:s10], $0x800  }
0x51: {  	[sflag:s10] =	ssyncset.done $0x0  }
0x52: {  	[sflag:s10] =	ssyncadd.s32 $0xFFFFF800  }
0x53: {  	_ =	swait.ge [sflag:s10], $0x800  }
0x54: {  	[sflag:s10] =	ssyncset.done $0x0  }
0x55: {  	[sflag:s10] =	ssyncadd.s32 $0xFFFFF800  }
0x56: {  	_ =	swait.ge [sflag:s10], $0x800  }
0x57: {  	[sflag:s10] =	ssyncset.done $0x0  }
0x58: {  	[sflag:s10] =	ssyncadd.s32 $0xFFFFF800  }
0x59: {  	[tilespmem:s2], [sflag:$0x3] =	stream.linear.gather [hbm4b:s3+s2], $0x200, $0x38;
	[tilespmem:$0x2400] =	vst v63  }
0x5a: {  	_ =	swait.ge [sflag:s4], $0x200  }
0x5b: {  	[sflag:s4] =	ssyncset.done $0x0  }
0x5c: {  	[sflag:s4] =	ssyncadd.s32 $0xFFFFFE00  }
0x5d: {  	v32 =	vld [tilespmem:$0x1F0]  }
0x5e: {  	v33 =	vld [tilespmem:$0x1E0]  }
0x5f: {  	v34 =	vld [tilespmem:$0x130]  }
0x60: {  	v35 =	vld [tilespmem:$0x1D0]  }
0x61: {  	v36 =	vld [tilespmem:$0x1C0]  }
0x62: {  	v37 =	vld [tilespmem:$0x1B0];
	v32 =	vadd.s32 v4, v32  }
0x63: {  	v38 =	vld [tilespmem:$0x190];
	v33 =	vadd.s32 v5, v33;
	[tilespmem:$0x3F0] =	vst v32  }
0x64: {  	v32 =	vadd.s32 v3, v34;
	v34 =	vld [tilespmem:$0x180];
	[tilespmem:$0x3E0] =	vst v33  }
0x65: {  	[tilespmem:$0x330] =	vst v32;
	v32 =	vld [tilespmem:$0x170];
	v33 =	vadd.s32 v6, v35  }
0x66: {  	v35 =	vld [tilespmem:$0x160];
	v36 =	vadd.s32 v7, v36;
	[tilespmem:$0x3D0] =	vst v33  }
0x67: {  	v33 =	vld [tilespmem:$0x150];
	v37 =	vadd.s32 v8, v37;
	[tilespmem:$0x3C0] =	vst v36  }
0x68: {  	v36 =	vld [tilespmem:$0x140];
	v38 =	vadd.s32 v9, v38;
	[tilespmem:$0x3B0] =	vst v37  }
0x69: {  	v37 =	vld [tilespmem:$0xB0];
	v34 =	vadd.s32 v10, v34;
	[tilespmem:$0x390] =	vst v38  }
0x6a: {  	v38 =	vld [tilespmem:$0x120];
	v32 =	vadd.s32 v11, v32;
	[tilespmem:$0x380] =	vst v34  }
0x6b: {  	v34 =	vld [tilespmem:$0x110];
	v35 =	vadd.s32 v12, v35;
	[tilespmem:$0x370] =	vst v32  }
0x6c: {  	v32 =	vld [tilespmem:$0x100];
	v33 =	vadd.s32 v13, v33;
	[tilespmem:$0x360] =	vst v35  }
0x6d: {  	v35 =	vld [tilespmem:$0xE0];
	v36 =	vadd.s32 v14, v36;
	[tilespmem:$0x350] =	vst v33  }
0x6e: {  	v33 =	vadd.s32 v2, v37;
	v37 =	vld [tilespmem:$0xD0];
	[tilespmem:$0x340] =	vst v36  }
0x6f: {  	[tilespmem:$0x2B0] =	vst v33;
	v33 =	vld [tilespmem:$0xC0];
	v36 =	vadd.s32 v15, v38  }
0x70: {  	v38 =	vld [tilespmem:$0x30];
	v34 =	vadd.s32 v16, v34;
	[tilespmem:$0x320] =	vst v36  }
0x71: {  	v36 =	vld [tilespmem:$0xA0];
	v32 =	vadd.s32 v17, v32;
	[tilespmem:$0x310] =	vst v34  }
0x72: {  	v34 =	vld [tilespmem:$0x90];
	v35 =	vadd.s32 v18, v35;
	[tilespmem:$0x300] =	vst v32  }
0x73: {  	v32 =	vld [tilespmem:$0x80];
	v37 =	vadd.s32 v19, v37;
	[tilespmem:$0x2E0] =	vst v35  }
0x74: {  	v35 =	vld [tilespmem:$0x60];
	v33 =	vadd.s32 v20, v33;
	[tilespmem:$0x2D0] =	vst v37  }
0x75: {  	v37 =	vadd.s32 v1, v38;
	v38 =	vld [tilespmem:$0x50];
	[tilespmem:$0x2C0] =	vst v33  }
0x76: {  	[tilespmem:$0x230] =	vst v37;
	v33 =	vld [tilespmem:$0x40];
	v36 =	vadd.s32 v21, v36  }
0x77: {  	v34 =	vadd.s32 v22, v34;
	[tilespmem:$0x2A0] =	vst v36;
	v36 =	vld [tilespmem:$0x1A0]  }
0x78: {  	v37 =	vld [tilespmem:$0x20];
	v32 =	vadd.s32 v23, v32;
	[tilespmem:$0x290] =	vst v34  }
0x79: {  	v34 =	vld [tilespmem:$0x10];
	v35 =	vadd.s32 v24, v35;
	[tilespmem:$0x280] =	vst v32  }
0x7a: {  	v32 =	vadd.s32 v25, v38;
	[tilespmem:$0x260] =	vst v35;
	v35 =	vld [tilespmem:$0xF0]  }
0x7b: {  	v33 =	vadd.s32 v26, v33;
	[tilespmem:$0x250] =	vst v32;
	v32 =	vld [tilespmem:$0x70]  }
0x7c: {  	v38 =	vld [tilespmem:$0x0];
	[tilespmem:$0x240] =	vst v33;
	v33 =	vadd.s32 v27, v36  }
0x7d: {  	v36 =	vadd.s32 v28, v37;
	[tilespmem:$0x3A0] =	vst v33  }
0x7e: {  	v33 =	vadd.s32 v0, v34;
	[tilespmem:$0x220] =	vst v36  }
0x7f: {  	[tilespmem:$0x210] =	vst v33;
	v33 =	vadd.s32 v29, v35  }
0x80: {  	v32 =	vadd.s32 v30, v32;
	[tilespmem:$0x2F0] =	vst v33  }
.Ltmp1:
0x81: {  	v33 =	vadd.s32 v31, v38;
	[tilespmem:$0x270] =	vst v32;
	(pc) =	sbr.rel @p0 .LBB2_1-.Ltmp1, $4  }
0x82: {  	[tilespmem:$0x200] =	vst v33  }
0x83: {  	[tilespmem:s14], [sflag:$0x1] =	stream.indirect.gather [hbm4b:s5+s13], $0x10, s17, s13, $0xb8;
	[tilespmem:$0x2400] =	vst v63  }
0x84: {  	_ = 	snop  }
0x85: {  	[tilespmem:s15], [sflag:$0x1] =	stream.indirect.gather [hbm4b:s5+s13], $0x10, s18, s13, $0xb8;
	[tilespmem:$0x2400] =	vst v63  }
.LBB2_2:
0x86: {  	[tilespmem:s12], [sflag:$0x1] =	stream.indirect.gather [hbm4b:s5+s13], $0x10, s19, s13, $0xb8;
	[tilespmem:$0x2400] =	vst v63  }
0x87: {  	_ = 	snop  }
0x88: {  	[tilespmem:s11], [sflag:$0x1] =	stream.indirect.gather [hbm4b:s5+s13], $0x10, s20, s13, $0xb8;
	[tilespmem:$0x2400] =	vst v63  }
0x89: {  	_ =	swait.ge [sflag:s16], $0x800  }
0x8a: {  	[sflag:s16] =	ssyncset.done $0x0  }
0x8b: {  	[sflag:s16] =	ssyncadd.s32 $0xFFFFF800  }
0x8c: {  	[hbm4b:s8+s2] =	stream.linear.scatter [tilespmem:s14], [sflag:$0x2], $0x800, $0x38;
	[tilespmem:$0x2400] =	vst v63  }
0x8d: {  	_ =	swait.ge [sflag:s16], $0x800  }
0x8e: {  	[sflag:s16] =	ssyncset.done $0x0  }
0x8f: {  	[sflag:s16] =	ssyncadd.s32 $0xFFFFF800  }
0x90: {  	[hbm4b:s9+s2] =	stream.linear.scatter [tilespmem:s15], [sflag:$0x2], $0x800, $0x38;
	[tilespmem:$0x2400] =	vst v63  }
0x91: {  	_ =	swait.ge [sflag:s16], $0x800  }
0x92: {  	[sflag:s16] =	ssyncset.done $0x0  }
0x93: {  	[sflag:s16] =	ssyncadd.s32 $0xFFFFF800  }
0x94: {  	[hbm4b:s6+s2] =	stream.linear.scatter [tilespmem:s12], [sflag:$0x2], $0x800, $0x38;
	[tilespmem:$0x2400] =	vst v63  }
0x95: {  	_ =	swait.ge [sflag:s16], $0x800  }
0x96: {  	[sflag:s16] =	ssyncset.done $0x0  }
0x97: {  	[sflag:s16] =	ssyncadd.s32 $0xFFFFF800  }
0x98: {  	[hbm4b:s7+s2] =	stream.linear.scatter [tilespmem:s11], [sflag:$0x2], $0x800, $0x38;
	[tilespmem:$0x2400] =	vst v63  }
0x99: {  	_ =	swait.ge [sflag:s10], $0x800  }
0x9a: {  	[sflag:s10] =	ssyncset.done $0x0  }
0x9b: {  	[sflag:s10] =	ssyncadd.s32 $0xFFFFF800  }
0x9c: {  	_ =	swait.ge [sflag:s10], $0x800  }
0x9d: {  	[sflag:s10] =	ssyncset.done $0x0  }
0x9e: {  	[sflag:s10] =	ssyncadd.s32 $0xFFFFF800  }
0x9f: {  	_ =	swait.ge [sflag:s10], $0x800  }
0xa0: {  	[sflag:s10] =	ssyncset.done $0x0  }
0xa1: {  	[sflag:s10] =	ssyncadd.s32 $0xFFFFF800  }
0xa2: {  	_ =	swait.ge [sflag:s10], $0x800  }
0xa3: {  	[sflag:s10] =	ssyncset.done $0x0  }
0xa4: {  	[sflag:s10] =	ssyncadd.s32 $0xFFFFF800  }
0xa5: {  	_ =	sfence.sel $0x180000  }
0xa6: {  	[bflag:$0x0] =	sbarrier.arrive $0xFFFF  }
0xa7: {  	p0 =	sne.s32 s0, $0x0;
	_ =	strace $0x90000047  }
0xa8: {  	s0 =	sadd.s32 @!p0 $0x100000, s1;
	[bflag:$0x2] =	sbarrier.arrive $0xFFFF  }
0xa9: {  	[sflag:s0] =	ssyncadd.tile.s32 @!p0 $0x1;
	_ =	shalt  }
.Lfunc_end2:
_tile_overlayer_lowered:
.L_overlay_start_2:
0xaa: {  	(tag) =	ssettag $0x2  }
0xab: {  	s0 =	rddreg [dreg:$0x0];
	s2 =	stileid.u32  }
0xac: {  	s1 =	rddreg [dreg:$0x1];
	p0 =	sne.s32 s2, $0x0  }
0xad: {  	s3 =	rddreg [dreg:$0x2];
	[bflag:$0x3] =	sbarrier.arrive $0xFFFF;
	s2 =	simm.s32 @!p0 $0x1C03  }
0xae: {  	[timem:s3], [sflag:s2] =	dma.local @!p0 [hbm:s0], s1  }
0xaf: {  	s0 =	simm.s32 @!p0 $0x3  }
0xb0: {  	_ =	swait.ge @!p0 [sflag:s0], s1  }
0xb1: {  	s1 =	ssub.s32 @!p0 $0x0, s1;
	[sflag:s0] =	ssyncset.done @!p0 $0x0  }
0xb2: {  	[sflag:s0] =	ssyncadd.s32 @!p0 s1  }
0xb3: {  	[bflag:$0x3] =	sbarrier.arrive $0xFFFF  }
0xb4: {  	_ =	shalt  }

</sc_bundles>
